<compile_context>
chip_gen: v7x
topology: tpu7x:2x2x1
jax: 0.10.2.dev20260603
libtpu: 0.0.44.dev20260713+nightly
codegen_flags: <defaults>
</compile_context>

<pallas_src>
import functools

import jax
import jax.numpy as jnp
from jax import lax
from jax.experimental import pallas as pl
from jax.experimental.pallas import tpu as pltpu
from jax.experimental.pallas import tpu_sc as plsc

N_ROUTED = 64
NUM_LOGITS = 80
RSF = 2.5
T = 2048
D_MODEL = 1024
D_FF = 256
BLK = 64
NBLK = 128
PAD = BLK * NBLK
NW = 32
ROWS_W = T // NW
CH = 128
NCH = T // CH


def _route_body(x_ref, wr_ref, bias_ref,
                p1_ref, p2_ref, w1_ref, w2_ref, zw_ref, be_ref):
    x = x_ref[...]
    logits = lax.dot_general(
        x, wr_ref[...], (((1,), (1,)), ((), ())),
        preferred_element_type=jnp.float32)
    s = jax.nn.sigmoid(logits)
    sc = s + bias_ref[...]
    col = lax.broadcasted_iota(jnp.int32, (T, NUM_LOGITS), 1)
    m1 = jnp.max(sc, axis=1, keepdims=True)
    i1 = jnp.min(jnp.where(sc == m1, col, NUM_LOGITS), axis=1, keepdims=True)
    sc2 = jnp.where(col == i1, -jnp.inf, sc)
    m2 = jnp.max(sc2, axis=1, keepdims=True)
    i2 = jnp.min(jnp.where(sc2 == m2, col, NUM_LOGITS), axis=1, keepdims=True)
    w1v = jnp.sum(jnp.where(col == i1, s, 0.0), axis=1, keepdims=True)
    w2v = jnp.sum(jnp.where(col == i2, s, 0.0), axis=1, keepdims=True)
    norm = w1v + w2v + 1e-20
    w1v = w1v / norm
    w2v = w2v / norm
    z1 = i1 >= N_ROUTED
    z2 = i2 >= N_ROUTED
    zw_ref[...] = jnp.where(z1, w1v, 0.0) + jnp.where(z2, w2v, 0.0)
    e1 = jnp.where(z1, 0, i1)
    e2 = jnp.where(z2, 0, i2)
    w1_ref[...] = jnp.where(z1, 0.0, w1v) * RSF
    w2_ref[...] = jnp.where(z2, 0.0, w2v) * RSF

    ecol = lax.broadcasted_iota(jnp.int32, (T, N_ROUTED), 1)
    oh1 = (ecol == e1).astype(jnp.float32)
    oh2 = (ecol == e2).astype(jnp.float32)
    oh = oh1 + oh2
    ltri = (lax.broadcasted_iota(jnp.int32, (CH, CH), 0)
            >= lax.broadcasted_iota(jnp.int32, (CH, CH), 1)).astype(jnp.float32)
    parts = [
        lax.dot_general(ltri, oh[c * CH:(c + 1) * CH, :],
                        (((1,), (0,)), ((), ())),
                        precision=lax.Precision.HIGHEST,
                        preferred_element_type=jnp.float32)
        for c in range(NCH)
    ]
    part1 = jnp.concatenate(parts, axis=0)
    sel = (lax.broadcasted_iota(jnp.int32, (NCH, T), 0)
           == lax.broadcasted_iota(jnp.int32, (NCH, T), 1) // CH
           ).astype(jnp.float32)
    chunk_tot = lax.dot_general(sel, oh, (((1,), (0,)), ((), ())),
                                precision=lax.Precision.HIGHEST,
                                preferred_element_type=jnp.float32)
    l16s = (lax.broadcasted_iota(jnp.int32, (NCH, NCH), 0)
            > lax.broadcasted_iota(jnp.int32, (NCH, NCH), 1)
            ).astype(jnp.float32)
    carry = lax.dot_general(l16s, chunk_tot, (((1,), (0,)), ((), ())),
                            precision=lax.Precision.HIGHEST,
                            preferred_element_type=jnp.float32)
    expand = (lax.broadcasted_iota(jnp.int32, (T, NCH), 0) // CH
              == lax.broadcasted_iota(jnp.int32, (T, NCH), 1)
              ).astype(jnp.float32)
    c_incl = part1 + lax.dot_general(expand, carry, (((1,), (0,)), ((), ())),
                                     precision=lax.Precision.HIGHEST,
                                     preferred_element_type=jnp.float32)
    c_excl = c_incl - oh
    rank1 = jnp.sum(c_excl * oh1, axis=1, keepdims=True)
    rank2 = (jnp.sum(c_excl * oh2, axis=1, keepdims=True)
             + (e1 == e2).astype(jnp.float32))

    counts = jnp.sum(oh, axis=0, keepdims=True)
    nblk = jnp.floor((counts + (BLK - 1)) / BLK)
    mlt = (lax.broadcasted_iota(jnp.int32, (N_ROUTED, N_ROUTED), 0)
           < lax.broadcasted_iota(jnp.int32, (N_ROUTED, N_ROUTED), 1)
           ).astype(jnp.float32)
    firstblk = lax.dot_general(nblk, mlt, (((1,), (0,)), ((), ())),
                               precision=lax.Precision.HIGHEST,
                               preferred_element_type=jnp.float32)
    bstart = firstblk * BLK
    p1_ref[...] = (jnp.sum(bstart * oh1, axis=1, keepdims=True)
                   + rank1).astype(jnp.int32)
    p2_ref[...] = (jnp.sum(bstart * oh2, axis=1, keepdims=True)
                   + rank2).astype(jnp.int32)

    bcol = lax.broadcasted_iota(jnp.int32, (NBLK, 1), 0)
    fb_i = firstblk.astype(jnp.int32)
    nb_i = nblk.astype(jnp.int32)
    ind = (fb_i <= bcol) & (nb_i > 0)
    eids = lax.broadcasted_iota(jnp.int32, (NBLK, N_ROUTED), 1)
    bexp = jnp.maximum(
        jnp.max(jnp.where(ind, eids, -1), axis=1, keepdims=True), 0)
    total_blocks = jnp.sum(nblk, axis=1, keepdims=True).astype(jnp.int32)
    used = (bcol < total_blocks).astype(jnp.int32)
    redirect = jnp.minimum(bcol, total_blocks - 1)
    be_ref[...] = jnp.concatenate([bexp, used, redirect], axis=1)


@functools.lru_cache(maxsize=None)
def _make_sc_kernels():
    mesh = plsc.VectorSubcoreMesh(core_axis_name="c", subcore_axis_name="s")
    scratch = [
        pltpu.VMEM((ROWS_W,), jnp.int32),
        pltpu.VMEM((ROWS_W, D_MODEL), jnp.float32),
        pltpu.SemaphoreType.DMA,
    ]

    @functools.partial(
        pl.kernel,
        out_type=jax.ShapeDtypeStruct((PAD, D_MODEL), jnp.float32),
        mesh=mesh,
        scratch_types=scratch,
    )
    def sc_scatter(x_hbm, p1_hbm, p2_hbm, xs_hbm, idx_v, rows_v, sem):
        wid = lax.axis_index("s") * 2 + lax.axis_index("c")
        base = wid * ROWS_W
        pltpu.sync_copy(x_hbm.at[pl.ds(base, ROWS_W)], rows_v)
        pltpu.sync_copy(p1_hbm.at[wid], idx_v)
        pltpu.async_copy(rows_v, xs_hbm.at[idx_v], sem).wait()
        pltpu.sync_copy(p2_hbm.at[wid], idx_v)
        pltpu.async_copy(rows_v, xs_hbm.at[idx_v], sem).wait()

    @functools.partial(
        pl.kernel,
        out_type=(jax.ShapeDtypeStruct((T, D_MODEL), jnp.float32),
                  jax.ShapeDtypeStruct((T, D_MODEL), jnp.float32)),
        mesh=mesh,
        scratch_types=scratch,
    )
    def sc_gather(os_hbm, p1_hbm, p2_hbm, po1_hbm, po2_hbm, idx_v, rows_v, sem):
        wid = lax.axis_index("s") * 2 + lax.axis_index("c")
        base = wid * ROWS_W
        pltpu.sync_copy(p1_hbm.at[wid], idx_v)
        pltpu.async_copy(os_hbm.at[idx_v], rows_v, sem).wait()
        pltpu.sync_copy(rows_v, po1_hbm.at[pl.ds(base, ROWS_W)])
        pltpu.sync_copy(p2_hbm.at[wid], idx_v)
        pltpu.async_copy(os_hbm.at[idx_v], rows_v, sem).wait()
        pltpu.sync_copy(rows_v, po2_hbm.at[pl.ds(base, ROWS_W)])

    return sc_scatter, sc_gather


def _gmm_body(be_ref, xs_ref, w1_ref, w3_ref, w2_ref, out_ref):
    b = pl.program_id(0)

    @pl.when(be_ref[1, b] == 1)
    def _compute():
        xb = xs_ref[...]
        a = lax.dot_general(xb, w1_ref[0], (((1,), (1,)), ((), ())),
                            preferred_element_type=jnp.float32)
        c = lax.dot_general(xb, w3_ref[0], (((1,), (1,)), ((), ())),
                            preferred_element_type=jnp.float32)
        h = (a * jax.nn.sigmoid(a)) * c
        out_ref[...] = lax.dot_general(
            h, w2_ref[0], (((1,), (1,)), ((), ())),
            preferred_element_type=jnp.float32)


def _combine_body(po1_ref, po2_ref, x_ref, w1_ref, w2_ref, zw_ref, y_ref):
    y_ref[...] = (w1_ref[...] * po1_ref[...] + w2_ref[...] * po2_ref[...]
                  + zw_ref[...] * x_ref[...])


def kernel(hidden_states, W_router, correction_bias, w1, w3, w2,
           num_global_tokens, max_num_tokens_per_gpu):
    x = hidden_states

    p1, p2, wt1, wt2, zw, be = pl.pallas_call(
        _route_body,
        out_shape=(
            jax.ShapeDtypeStruct((T, 1), jnp.int32),
            jax.ShapeDtypeStruct((T, 1), jnp.int32),
            jax.ShapeDtypeStruct((T, 1), jnp.float32),
            jax.ShapeDtypeStruct((T, 1), jnp.float32),
            jax.ShapeDtypeStruct((T, 1), jnp.float32),
            jax.ShapeDtypeStruct((NBLK, 3), jnp.int32),
        ),
    )(x, W_router, correction_bias.reshape(1, NUM_LOGITS))

    p1w = p1.reshape(NW, ROWS_W)
    p2w = p2.reshape(NW, ROWS_W)
    be2 = be.T

    sc_scatter, sc_gather = _make_sc_kernels()
    xs = sc_scatter(x, p1w, p2w)

    os = pl.pallas_call(
        _gmm_body,
        grid_spec=pltpu.PrefetchScalarGridSpec(
            num_scalar_prefetch=1,
            grid=(NBLK,),
            in_specs=[
                pl.BlockSpec((BLK, D_MODEL), lambda b, be_s: (be_s[2, b], 0)),
                pl.BlockSpec((1, D_FF, D_MODEL),
                             lambda b, be_s: (be_s[0, b], 0, 0)),
                pl.BlockSpec((1, D_FF, D_MODEL),
                             lambda b, be_s: (be_s[0, b], 0, 0)),
                pl.BlockSpec((1, D_MODEL, D_FF),
                             lambda b, be_s: (be_s[0, b], 0, 0)),
            ],
            out_specs=pl.BlockSpec((BLK, D_MODEL),
                                   lambda b, be_s: (be_s[2, b], 0)),
        ),
        out_shape=jax.ShapeDtypeStruct((PAD, D_MODEL), jnp.float32),
    )(be2, xs, w1, w3, w2)

    po1, po2 = sc_gather(os, p1w, p2w)

    y = pl.pallas_call(
        _combine_body,
        grid=(T // 128,),
        in_specs=[
            pl.BlockSpec((128, D_MODEL), lambda i: (i, 0)),
            pl.BlockSpec((128, D_MODEL), lambda i: (i, 0)),
            pl.BlockSpec((128, D_MODEL), lambda i: (i, 0)),
            pl.BlockSpec((128, 1), lambda i: (i, 0)),
            pl.BlockSpec((128, 1), lambda i: (i, 0)),
            pl.BlockSpec((128, 1), lambda i: (i, 0)),
        ],
        out_specs=pl.BlockSpec((128, D_MODEL), lambda i: (i, 0)),
        out_shape=jax.ShapeDtypeStruct((T, D_MODEL), jnp.float32),
    )(po1, po2, x, wt1, wt2, zw)
    return y

# --- scband reference (transcript-rebuilt; emitter-appended) ---
"""Pipeline reference for scband-runtime-longcat-mo-e-78752520339555 (READ-ONLY COPY).

The authoritative reference and input builder live on the scoring server;
editing this copy changes nothing except your own understanding.
"""

import jax, jax.numpy as jnp
import numpy as np

N_ROUTED = 64
ZERO_NUM = 16
NUM_LOGITS = N_ROUTED + ZERO_NUM
TOP_K = 2
D_MODEL = 1024
D_FF = 256
RSF = 2.5
T = 2048


def setup_inputs(seed: int = 0) -> dict:
    key = jax.random.key(seed)
    ks = jax.random.split(key, 5)
    hidden_states = jax.random.normal(ks[0], (T, D_MODEL), dtype=jnp.float32)
    W_router = jax.random.normal(ks[1], (NUM_LOGITS, D_MODEL), dtype=jnp.float32) * (1.0 / np.sqrt(D_MODEL))
    correction_bias = jnp.zeros((NUM_LOGITS,), dtype=jnp.float32)
    w1 = jax.random.normal(ks[2], (N_ROUTED, D_FF, D_MODEL), dtype=jnp.float32) * 0.02
    w3 = jax.random.normal(ks[3], (N_ROUTED, D_FF, D_MODEL), dtype=jnp.float32) * 0.02
    w2 = jax.random.normal(ks[4], (N_ROUTED, D_MODEL, D_FF), dtype=jnp.float32) * 0.02
    return {
        'hidden_states': hidden_states,
        'W_router': W_router,
        'correction_bias': correction_bias,
        'w1': w1,
        'w3': w3,
        'w2': w2,
        'num_global_tokens': T,
        'max_num_tokens_per_gpu': T,
    }


def reference(hidden_states, W_router, correction_bias, w1, w3, w2, num_global_tokens, max_num_tokens_per_gpu):
    # --- Router: F.linear(hidden.float(), classifier.weight.float()) ---
    x = hidden_states.astype(jnp.float32)
    router_logits = x @ W_router.T  # [T, NUM_LOGITS]

    # --- DeepSeekV3-style TopK: sigmoid scores + correction bias for selection ---
    scores = jax.nn.sigmoid(router_logits)
    scores_for_choice = scores + correction_bias[None, :]
    _, topk_ids = jax.lax.top_k(scores_for_choice, TOP_K)  # [T, k] int32
    topk_weights = jnp.take_along_axis(scores, topk_ids, axis=1)  # original scores
    # renormalize (norm_topk_prob=True)
    topk_weights = topk_weights / (jnp.sum(topk_weights, axis=-1, keepdims=True) + 1e-20)

    # --- _apply_zero_experts (zero_expert_type='identity') ---
    zero_expert_mask = (topk_ids < 0) | (topk_ids >= N_ROUTED)
    zero_expert_weights = jnp.where(zero_expert_mask, topk_weights, 0.0)
    topk_ids = jnp.where(zero_expert_mask, 0, topk_ids)
    topk_weights = jnp.where(zero_expert_mask, 0.0, topk_weights)
    zero_weight = jnp.sum(zero_expert_weights, axis=-1, keepdims=True)
    zero_expert_output = hidden_states * zero_weight

    # --- Routed experts: SiLU-gated FFN, combine via scatter-add of topk weights ---
    n_tok = x.shape[0]
    combine = jnp.zeros((n_tok, N_ROUTED), dtype=jnp.float32)
    combine = combine.at[jnp.arange(n_tok)[:, None], topk_ids].add(topk_weights)

    h1 = jnp.einsum('td,efd->tef', x, w1)
    h3 = jnp.einsum('td,efd->tef', x, w3)
    act = jax.nn.silu(h1) * h3
    act = act * combine[:, :, None]
    routed_expert_output = jnp.einsum('tef,edf->td', act, w2)

    # routed_scaling_factor applied on output, then add zero-expert identity path
    routed_expert_output = routed_expert_output * RSF
    return routed_expert_output + zero_expert_output

if __name__ == "__main__":
    import jax
    _d = setup_inputs()
    print(jax.jit(kernel)(*tuple(_d.values())))

</pallas_src>

<mosaic_0001>
#map = affine_map<(d0, d1) -> (0, 0)>
module attributes {stable_mosaic.version = 14 : i64} {
  func.func @sc_gather(%arg0: i32, %arg1: i32, %arg2: memref<8192x1024xf32, #tpu.memory_space<hbm>>, %arg3: memref<32x64xi32, #tpu.memory_space<hbm>>, %arg4: memref<32x64xi32, #tpu.memory_space<hbm>>, %arg5: memref<2048x1024xf32, #tpu.memory_space<hbm>>, %arg6: memref<2048x1024xf32, #tpu.memory_space<hbm>>, %arg7: memref<64xi32, #tpu.memory_space<vmem>>, %arg8: memref<64x1024xf32, #tpu.memory_space<vmem>>, %arg9: memref<!tpu.dma_semaphore, #tpu.memory_space<semaphore_mem>>) attributes {dimension_semantics = [#tpu.dimension_semantics<core_parallel>, #tpu.dimension_semantics<subcore_parallel>], iteration_bounds = array<i64: 2, 16>, scalar_prefetch = 0 : i64, scratch_operands = 3 : i64, tpu.core_type = #tpu.core_type<sc_vector_subcore>, window_params = [{transform_indices = #map}, {transform_indices = #map}, {transform_indices = #map}, {transform_indices = #map}, {transform_indices = #map}]} {
    %mul3A = arith.constant 2 : i32
    %mul3A_0 = arith.muli %arg1, %mul3A : i32
    %add3A = arith.addi %mul3A_0, %arg0 : i32
    %mul3A_1 = arith.constant 64 : i32
    %mul3A_2 = arith.muli %add3A, %mul3A_1 : i32
    "tpu.region"() ({
      %run_scoped3A = tpu.sem_alloc : memref<!tpu.dma_semaphore, #tpu.memory_space<semaphore_mem>>
      %dma_start3A_13 = arith.constant 0 : i32
      %dma_start3A_14 = tpu.memref_slice %arg3[%add3A, %dma_start3A_13] : memref<32x64xi32, #tpu.memory_space<hbm>> -> memref<1x64xi32, #tpu.memory_space<hbm>>
      %dma_start3A_15 = tpu.memref_squeeze %dma_start3A_14 : memref<1x64xi32, #tpu.memory_space<hbm>> -> memref<64xi32, #tpu.memory_space<hbm>>
      %dma_start3A_16 = arith.constant 0 : i32
      %dma_start3A_17 = tpu.memref_slice %arg3[%add3A, %dma_start3A_16] : memref<32x64xi32, #tpu.memory_space<hbm>> -> memref<1x64xi32, #tpu.memory_space<hbm>>
      %dma_start3A_18 = tpu.memref_squeeze %dma_start3A_17 : memref<1x64xi32, #tpu.memory_space<hbm>> -> memref<64xi32, #tpu.memory_space<hbm>>
      tpu.enqueue_dma source(%dma_start3A_18 : memref<64xi32, #tpu.memory_space<hbm>>) target(%arg7 : memref<64xi32, #tpu.memory_space<vmem>>) target_semaphore(%run_scoped3A : memref<!tpu.dma_semaphore, #tpu.memory_space<semaphore_mem>>)
      %dma_wait3A_19 = arith.constant 0 : i32
      %dma_wait3A_20 = tpu.memref_slice %arg3[%add3A, %dma_wait3A_19] : memref<32x64xi32, #tpu.memory_space<hbm>> -> memref<1x64xi32, #tpu.memory_space<hbm>>
      %dma_wait3A_21 = tpu.memref_squeeze %dma_wait3A_20 : memref<1x64xi32, #tpu.memory_space<hbm>> -> memref<64xi32, #tpu.memory_space<hbm>>
      %dma_wait3A_22 = arith.constant 0 : i32
      %dma_wait3A_23 = tpu.memref_slice %arg3[%add3A, %dma_wait3A_22] : memref<32x64xi32, #tpu.memory_space<hbm>> -> memref<1x64xi32, #tpu.memory_space<hbm>>
      %dma_wait3A_24 = tpu.memref_squeeze %dma_wait3A_23 : memref<1x64xi32, #tpu.memory_space<hbm>> -> memref<64xi32, #tpu.memory_space<hbm>>
      tpu.wait_dma2 semaphore(%run_scoped3A : memref<!tpu.dma_semaphore, #tpu.memory_space<semaphore_mem>>) src(%dma_wait3A_24 : memref<64xi32, #tpu.memory_space<hbm>>) dst(%arg7 : memref<64xi32, #tpu.memory_space<vmem>>)
      tpu.yield
    }) : () -> ()
    %dma_start3A = arith.constant 0 : i32
    %dma_start3A_3 = arith.constant 0 : i32
    %dma_start3A_4 = tpu.memref_slice %arg2[%dma_start3A, %dma_start3A_3] : memref<8192x1024xf32, #tpu.memory_space<hbm>> -> memref<8192x1024xf32, #tpu.memory_space<hbm>>
    tpu.enqueue_indirect_dma source(%dma_start3A_4 : memref<8192x1024xf32, #tpu.memory_space<hbm>>) target(%arg8 : memref<64x1024xf32, #tpu.memory_space<vmem>>) offsets(%arg7 : memref<64xi32, #tpu.memory_space<vmem>>) semaphore(%arg9 : memref<!tpu.dma_semaphore, #tpu.memory_space<semaphore_mem>>)
    %dma_wait3A = arith.constant 0 : i32
    %dma_wait3A_5 = arith.constant 0 : i32
    %dma_wait3A_6 = tpu.memref_slice %arg2[%dma_wait3A, %dma_wait3A_5] : memref<8192x1024xf32, #tpu.memory_space<hbm>> -> memref<8192x1024xf32, #tpu.memory_space<hbm>>
    tpu.wait_indirect_dma semaphore(%arg9 : memref<!tpu.dma_semaphore, #tpu.memory_space<semaphore_mem>>) src(%dma_wait3A_6 : memref<8192x1024xf32, #tpu.memory_space<hbm>>) dst(%arg8 : memref<64x1024xf32, #tpu.memory_space<vmem>>)
    "tpu.region"() ({
      %run_scoped3A = tpu.sem_alloc : memref<!tpu.dma_semaphore, #tpu.memory_space<semaphore_mem>>
      %dma_start3A_13 = arith.constant 0 : i32
      %dma_start3A_14 = tpu.memref_slice %arg5[%mul3A_2, %dma_start3A_13] : memref<2048x1024xf32, #tpu.memory_space<hbm>> -> memref<64x1024xf32, #tpu.memory_space<hbm>>
      %dma_start3A_15 = arith.constant 0 : i32
      %dma_start3A_16 = tpu.memref_slice %arg5[%mul3A_2, %dma_start3A_15] : memref<2048x1024xf32, #tpu.memory_space<hbm>> -> memref<64x1024xf32, #tpu.memory_space<hbm>>
      tpu.enqueue_dma source(%arg8 : memref<64x1024xf32, #tpu.memory_space<vmem>>) target(%dma_start3A_16 : memref<64x1024xf32, #tpu.memory_space<hbm>>) target_semaphore(%run_scoped3A : memref<!tpu.dma_semaphore, #tpu.memory_space<semaphore_mem>>)
      %dma_wait3A_17 = arith.constant 0 : i32
      %dma_wait3A_18 = tpu.memref_slice %arg5[%mul3A_2, %dma_wait3A_17] : memref<2048x1024xf32, #tpu.memory_space<hbm>> -> memref<64x1024xf32, #tpu.memory_space<hbm>>
      %dma_wait3A_19 = arith.constant 0 : i32
      %dma_wait3A_20 = tpu.memref_slice %arg5[%mul3A_2, %dma_wait3A_19] : memref<2048x1024xf32, #tpu.memory_space<hbm>> -> memref<64x1024xf32, #tpu.memory_space<hbm>>
      tpu.wait_dma2 semaphore(%run_scoped3A : memref<!tpu.dma_semaphore, #tpu.memory_space<semaphore_mem>>) src(%arg8 : memref<64x1024xf32, #tpu.memory_space<vmem>>) dst(%dma_wait3A_20 : memref<64x1024xf32, #tpu.memory_space<hbm>>)
      tpu.yield
    }) : () -> ()
    "tpu.region"() ({
      %run_scoped3A = tpu.sem_alloc : memref<!tpu.dma_semaphore, #tpu.memory_space<semaphore_mem>>
      %dma_start3A_13 = arith.constant 0 : i32
      %dma_start3A_14 = tpu.memref_slice %arg4[%add3A, %dma_start3A_13] : memref<32x64xi32, #tpu.memory_space<hbm>> -> memref<1x64xi32, #tpu.memory_space<hbm>>
      %dma_start3A_15 = tpu.memref_squeeze %dma_start3A_14 : memref<1x64xi32, #tpu.memory_space<hbm>> -> memref<64xi32, #tpu.memory_space<hbm>>
      %dma_start3A_16 = arith.constant 0 : i32
      %dma_start3A_17 = tpu.memref_slice %arg4[%add3A, %dma_start3A_16] : memref<32x64xi32, #tpu.memory_space<hbm>> -> memref<1x64xi32, #tpu.memory_space<hbm>>
      %dma_start3A_18 = tpu.memref_squeeze %dma_start3A_17 : memref<1x64xi32, #tpu.memory_space<hbm>> -> memref<64xi32, #tpu.memory_space<hbm>>
      tpu.enqueue_dma source(%dma_start3A_18 : memref<64xi32, #tpu.memory_space<hbm>>) target(%arg7 : memref<64xi32, #tpu.memory_space<vmem>>) target_semaphore(%run_scoped3A : memref<!tpu.dma_semaphore, #tpu.memory_space<semaphore_mem>>)
      %dma_wait3A_19 = arith.constant 0 : i32
      %dma_wait3A_20 = tpu.memref_slice %arg4[%add3A, %dma_wait3A_19] : memref<32x64xi32, #tpu.memory_space<hbm>> -> memref<1x64xi32, #tpu.memory_space<hbm>>
      %dma_wait3A_21 = tpu.memref_squeeze %dma_wait3A_20 : memref<1x64xi32, #tpu.memory_space<hbm>> -> memref<64xi32, #tpu.memory_space<hbm>>
      %dma_wait3A_22 = arith.constant 0 : i32
      %dma_wait3A_23 = tpu.memref_slice %arg4[%add3A, %dma_wait3A_22] : memref<32x64xi32, #tpu.memory_space<hbm>> -> memref<1x64xi32, #tpu.memory_space<hbm>>
      %dma_wait3A_24 = tpu.memref_squeeze %dma_wait3A_23 : memref<1x64xi32, #tpu.memory_space<hbm>> -> memref<64xi32, #tpu.memory_space<hbm>>
      tpu.wait_dma2 semaphore(%run_scoped3A : memref<!tpu.dma_semaphore, #tpu.memory_space<semaphore_mem>>) src(%dma_wait3A_24 : memref<64xi32, #tpu.memory_space<hbm>>) dst(%arg7 : memref<64xi32, #tpu.memory_space<vmem>>)
      tpu.yield
    }) : () -> ()
    %dma_start3A_7 = arith.constant 0 : i32
    %dma_start3A_8 = arith.constant 0 : i32
    %dma_start3A_9 = tpu.memref_slice %arg2[%dma_start3A_7, %dma_start3A_8] : memref<8192x1024xf32, #tpu.memory_space<hbm>> -> memref<8192x1024xf32, #tpu.memory_space<hbm>>
    tpu.enqueue_indirect_dma source(%dma_start3A_9 : memref<8192x1024xf32, #tpu.memory_space<hbm>>) target(%arg8 : memref<64x1024xf32, #tpu.memory_space<vmem>>) offsets(%arg7 : memref<64xi32, #tpu.memory_space<vmem>>) semaphore(%arg9 : memref<!tpu.dma_semaphore, #tpu.memory_space<semaphore_mem>>)
    %dma_wait3A_10 = arith.constant 0 : i32
    %dma_wait3A_11 = arith.constant 0 : i32
    %dma_wait3A_12 = tpu.memref_slice %arg2[%dma_wait3A_10, %dma_wait3A_11] : memref<8192x1024xf32, #tpu.memory_space<hbm>> -> memref<8192x1024xf32, #tpu.memory_space<hbm>>
    tpu.wait_indirect_dma semaphore(%arg9 : memref<!tpu.dma_semaphore, #tpu.memory_space<semaphore_mem>>) src(%dma_wait3A_12 : memref<8192x1024xf32, #tpu.memory_space<hbm>>) dst(%arg8 : memref<64x1024xf32, #tpu.memory_space<vmem>>)
    "tpu.region"() ({
      %run_scoped3A = tpu.sem_alloc : memref<!tpu.dma_semaphore, #tpu.memory_space<semaphore_mem>>
      %dma_start3A_13 = arith.constant 0 : i32
      %dma_start3A_14 = tpu.memref_slice %arg6[%mul3A_2, %dma_start3A_13] : memref<2048x1024xf32, #tpu.memory_space<hbm>> -> memref<64x1024xf32, #tpu.memory_space<hbm>>
      %dma_start3A_15 = arith.constant 0 : i32
      %dma_start3A_16 = tpu.memref_slice %arg6[%mul3A_2, %dma_start3A_15] : memref<2048x1024xf32, #tpu.memory_space<hbm>> -> memref<64x1024xf32, #tpu.memory_space<hbm>>
      tpu.enqueue_dma source(%arg8 : memref<64x1024xf32, #tpu.memory_space<vmem>>) target(%dma_start3A_16 : memref<64x1024xf32, #tpu.memory_space<hbm>>) target_semaphore(%run_scoped3A : memref<!tpu.dma_semaphore, #tpu.memory_space<semaphore_mem>>)
      %dma_wait3A_17 = arith.constant 0 : i32
      %dma_wait3A_18 = tpu.memref_slice %arg6[%mul3A_2, %dma_wait3A_17] : memref<2048x1024xf32, #tpu.memory_space<hbm>> -> memref<64x1024xf32, #tpu.memory_space<hbm>>
      %dma_wait3A_19 = arith.constant 0 : i32
      %dma_wait3A_20 = tpu.memref_slice %arg6[%mul3A_2, %dma_wait3A_19] : memref<2048x1024xf32, #tpu.memory_space<hbm>> -> memref<64x1024xf32, #tpu.memory_space<hbm>>
      tpu.wait_dma2 semaphore(%run_scoped3A : memref<!tpu.dma_semaphore, #tpu.memory_space<semaphore_mem>>) src(%arg8 : memref<64x1024xf32, #tpu.memory_space<vmem>>) dst(%dma_wait3A_20 : memref<64x1024xf32, #tpu.memory_space<hbm>>)
      tpu.yield
    }) : () -> ()
    return
  }
}

#map = affine_map<(d0, d1) -> (0, 0)>
module attributes {stable_mosaic.version = 14 : i64} {
  func.func @sc_scatter(%arg0: i32, %arg1: i32, %arg2: memref<2048x1024xf32, #tpu.memory_space<hbm>>, %arg3: memref<32x64xi32, #tpu.memory_space<hbm>>, %arg4: memref<32x64xi32, #tpu.memory_space<hbm>>, %arg5: memref<8192x1024xf32, #tpu.memory_space<hbm>>, %arg6: memref<64xi32, #tpu.memory_space<vmem>>, %arg7: memref<64x1024xf32, #tpu.memory_space<vmem>>, %arg8: memref<!tpu.dma_semaphore, #tpu.memory_space<semaphore_mem>>) attributes {dimension_semantics = [#tpu.dimension_semantics<core_parallel>, #tpu.dimension_semantics<subcore_parallel>], iteration_bounds = array<i64: 2, 16>, scalar_prefetch = 0 : i64, scratch_operands = 3 : i64, tpu.core_type = #tpu.core_type<sc_vector_subcore>, window_params = [{transform_indices = #map}, {transform_indices = #map}, {transform_indices = #map}, {transform_indices = #map}]} {
    %mul3A = arith.constant 2 : i32
    %mul3A_0 = arith.muli %arg1, %mul3A : i32
    %add3A = arith.addi %mul3A_0, %arg0 : i32
    %mul3A_1 = arith.constant 64 : i32
    %mul3A_2 = arith.muli %add3A, %mul3A_1 : i32
    "tpu.region"() ({
      %run_scoped3A = tpu.sem_alloc : memref<!tpu.dma_semaphore, #tpu.memory_space<semaphore_mem>>
      %dma_start3A_13 = arith.constant 0 : i32
      %dma_start3A_14 = tpu.memref_slice %arg2[%mul3A_2, %dma_start3A_13] : memref<2048x1024xf32, #tpu.memory_space<hbm>> -> memref<64x1024xf32, #tpu.memory_space<hbm>>
      %dma_start3A_15 = arith.constant 0 : i32
      %dma_start3A_16 = tpu.memref_slice %arg2[%mul3A_2, %dma_start3A_15] : memref<2048x1024xf32, #tpu.memory_space<hbm>> -> memref<64x1024xf32, #tpu.memory_space<hbm>>
      tpu.enqueue_dma source(%dma_start3A_16 : memref<64x1024xf32, #tpu.memory_space<hbm>>) target(%arg7 : memref<64x1024xf32, #tpu.memory_space<vmem>>) target_semaphore(%run_scoped3A : memref<!tpu.dma_semaphore, #tpu.memory_space<semaphore_mem>>)
      %dma_wait3A_17 = arith.constant 0 : i32
      %dma_wait3A_18 = tpu.memref_slice %arg2[%mul3A_2, %dma_wait3A_17] : memref<2048x1024xf32, #tpu.memory_space<hbm>> -> memref<64x1024xf32, #tpu.memory_space<hbm>>
      %dma_wait3A_19 = arith.constant 0 : i32
      %dma_wait3A_20 = tpu.memref_slice %arg2[%mul3A_2, %dma_wait3A_19] : memref<2048x1024xf32, #tpu.memory_space<hbm>> -> memref<64x1024xf32, #tpu.memory_space<hbm>>
      tpu.wait_dma2 semaphore(%run_scoped3A : memref<!tpu.dma_semaphore, #tpu.memory_space<semaphore_mem>>) src(%dma_wait3A_20 : memref<64x1024xf32, #tpu.memory_space<hbm>>) dst(%arg7 : memref<64x1024xf32, #tpu.memory_space<vmem>>)
      tpu.yield
    }) : () -> ()
    "tpu.region"() ({
      %run_scoped3A = tpu.sem_alloc : memref<!tpu.dma_semaphore, #tpu.memory_space<semaphore_mem>>
      %dma_start3A_13 = arith.constant 0 : i32
      %dma_start3A_14 = tpu.memref_slice %arg3[%add3A, %dma_start3A_13] : memref<32x64xi32, #tpu.memory_space<hbm>> -> memref<1x64xi32, #tpu.memory_space<hbm>>
      %dma_start3A_15 = tpu.memref_squeeze %dma_start3A_14 : memref<1x64xi32, #tpu.memory_space<hbm>> -> memref<64xi32, #tpu.memory_space<hbm>>
      %dma_start3A_16 = arith.constant 0 : i32
      %dma_start3A_17 = tpu.memref_slice %arg3[%add3A, %dma_start3A_16] : memref<32x64xi32, #tpu.memory_space<hbm>> -> memref<1x64xi32, #tpu.memory_space<hbm>>
      %dma_start3A_18 = tpu.memref_squeeze %dma_start3A_17 : memref<1x64xi32, #tpu.memory_space<hbm>> -> memref<64xi32, #tpu.memory_space<hbm>>
      tpu.enqueue_dma source(%dma_start3A_18 : memref<64xi32, #tpu.memory_space<hbm>>) target(%arg6 : memref<64xi32, #tpu.memory_space<vmem>>) target_semaphore(%run_scoped3A : memref<!tpu.dma_semaphore, #tpu.memory_space<semaphore_mem>>)
      %dma_wait3A_19 = arith.constant 0 : i32
      %dma_wait3A_20 = tpu.memref_slice %arg3[%add3A, %dma_wait3A_19] : memref<32x64xi32, #tpu.memory_space<hbm>> -> memref<1x64xi32, #tpu.memory_space<hbm>>
      %dma_wait3A_21 = tpu.memref_squeeze %dma_wait3A_20 : memref<1x64xi32, #tpu.memory_space<hbm>> -> memref<64xi32, #tpu.memory_space<hbm>>
      %dma_wait3A_22 = arith.constant 0 : i32
      %dma_wait3A_23 = tpu.memref_slice %arg3[%add3A, %dma_wait3A_22] : memref<32x64xi32, #tpu.memory_space<hbm>> -> memref<1x64xi32, #tpu.memory_space<hbm>>
      %dma_wait3A_24 = tpu.memref_squeeze %dma_wait3A_23 : memref<1x64xi32, #tpu.memory_space<hbm>> -> memref<64xi32, #tpu.memory_space<hbm>>
      tpu.wait_dma2 semaphore(%run_scoped3A : memref<!tpu.dma_semaphore, #tpu.memory_space<semaphore_mem>>) src(%dma_wait3A_24 : memref<64xi32, #tpu.memory_space<hbm>>) dst(%arg6 : memref<64xi32, #tpu.memory_space<vmem>>)
      tpu.yield
    }) : () -> ()
    %dma_start3A = arith.constant 0 : i32
    %dma_start3A_3 = arith.constant 0 : i32
    %dma_start3A_4 = tpu.memref_slice %arg5[%dma_start3A, %dma_start3A_3] : memref<8192x1024xf32, #tpu.memory_space<hbm>> -> memref<8192x1024xf32, #tpu.memory_space<hbm>>
    tpu.enqueue_indirect_dma source(%arg7 : memref<64x1024xf32, #tpu.memory_space<vmem>>) target(%dma_start3A_4 : memref<8192x1024xf32, #tpu.memory_space<hbm>>) offsets(%arg6 : memref<64xi32, #tpu.memory_space<vmem>>) semaphore(%arg8 : memref<!tpu.dma_semaphore, #tpu.memory_space<semaphore_mem>>)
    %dma_wait3A = arith.constant 0 : i32
    %dma_wait3A_5 = arith.constant 0 : i32
    %dma_wait3A_6 = tpu.memref_slice %arg5[%dma_wait3A, %dma_wait3A_5] : memref<8192x1024xf32, #tpu.memory_space<hbm>> -> memref<8192x1024xf32, #tpu.memory_space<hbm>>
    tpu.wait_indirect_dma semaphore(%arg8 : memref<!tpu.dma_semaphore, #tpu.memory_space<semaphore_mem>>) src(%arg7 : memref<64x1024xf32, #tpu.memory_space<vmem>>) dst(%dma_wait3A_6 : memref<8192x1024xf32, #tpu.memory_space<hbm>>)
    "tpu.region"() ({
      %run_scoped3A = tpu.sem_alloc : memref<!tpu.dma_semaphore, #tpu.memory_space<semaphore_mem>>
      %dma_start3A_13 = arith.constant 0 : i32
      %dma_start3A_14 = tpu.memref_slice %arg4[%add3A, %dma_start3A_13] : memref<32x64xi32, #tpu.memory_space<hbm>> -> memref<1x64xi32, #tpu.memory_space<hbm>>
      %dma_start3A_15 = tpu.memref_squeeze %dma_start3A_14 : memref<1x64xi32, #tpu.memory_space<hbm>> -> memref<64xi32, #tpu.memory_space<hbm>>
      %dma_start3A_16 = arith.constant 0 : i32
      %dma_start3A_17 = tpu.memref_slice %arg4[%add3A, %dma_start3A_16] : memref<32x64xi32, #tpu.memory_space<hbm>> -> memref<1x64xi32, #tpu.memory_space<hbm>>
      %dma_start3A_18 = tpu.memref_squeeze %dma_start3A_17 : memref<1x64xi32, #tpu.memory_space<hbm>> -> memref<64xi32, #tpu.memory_space<hbm>>
      tpu.enqueue_dma source(%dma_start3A_18 : memref<64xi32, #tpu.memory_space<hbm>>) target(%arg6 : memref<64xi32, #tpu.memory_space<vmem>>) target_semaphore(%run_scoped3A : memref<!tpu.dma_semaphore, #tpu.memory_space<semaphore_mem>>)
      %dma_wait3A_19 = arith.constant 0 : i32
      %dma_wait3A_20 = tpu.memref_slice %arg4[%add3A, %dma_wait3A_19] : memref<32x64xi32, #tpu.memory_space<hbm>> -> memref<1x64xi32, #tpu.memory_space<hbm>>
      %dma_wait3A_21 = tpu.memref_squeeze %dma_wait3A_20 : memref<1x64xi32, #tpu.memory_space<hbm>> -> memref<64xi32, #tpu.memory_space<hbm>>
      %dma_wait3A_22 = arith.constant 0 : i32
      %dma_wait3A_23 = tpu.memref_slice %arg4[%add3A, %dma_wait3A_22] : memref<32x64xi32, #tpu.memory_space<hbm>> -> memref<1x64xi32, #tpu.memory_space<hbm>>
      %dma_wait3A_24 = tpu.memref_squeeze %dma_wait3A_23 : memref<1x64xi32, #tpu.memory_space<hbm>> -> memref<64xi32, #tpu.memory_space<hbm>>
      tpu.wait_dma2 semaphore(%run_scoped3A : memref<!tpu.dma_semaphore, #tpu.memory_space<semaphore_mem>>) src(%dma_wait3A_24 : memref<64xi32, #tpu.memory_space<hbm>>) dst(%arg6 : memref<64xi32, #tpu.memory_space<vmem>>)
      tpu.yield
    }) : () -> ()
    %dma_start3A_7 = arith.constant 0 : i32
    %dma_start3A_8 = arith.constant 0 : i32
    %dma_start3A_9 = tpu.memref_slice %arg5[%dma_start3A_7, %dma_start3A_8] : memref<8192x1024xf32, #tpu.memory_space<hbm>> -> memref<8192x1024xf32, #tpu.memory_space<hbm>>
    tpu.enqueue_indirect_dma source(%arg7 : memref<64x1024xf32, #tpu.memory_space<vmem>>) target(%dma_start3A_9 : memref<8192x1024xf32, #tpu.memory_space<hbm>>) offsets(%arg6 : memref<64xi32, #tpu.memory_space<vmem>>) semaphore(%arg8 : memref<!tpu.dma_semaphore, #tpu.memory_space<semaphore_mem>>)
    %dma_wait3A_10 = arith.constant 0 : i32
    %dma_wait3A_11 = arith.constant 0 : i32
    %dma_wait3A_12 = tpu.memref_slice %arg5[%dma_wait3A_10, %dma_wait3A_11] : memref<8192x1024xf32, #tpu.memory_space<hbm>> -> memref<8192x1024xf32, #tpu.memory_space<hbm>>
    tpu.wait_indirect_dma semaphore(%arg8 : memref<!tpu.dma_semaphore, #tpu.memory_space<semaphore_mem>>) src(%arg7 : memref<64x1024xf32, #tpu.memory_space<vmem>>) dst(%dma_wait3A_12 : memref<8192x1024xf32, #tpu.memory_space<hbm>>)
    return
  }
}

module attributes {stable_mosaic.version = 14 : i64} {
  func.func @_route_body(%arg0: memref<2048x1024xf32, #tpu.memory_space<vmem>>, %arg1: memref<80x1024xf32, #tpu.memory_space<vmem>>, %arg2: memref<1x80xf32, #tpu.memory_space<vmem>>, %arg3: memref<2048x1xi32, #tpu.memory_space<vmem>>, %arg4: memref<2048x1xi32, #tpu.memory_space<vmem>>, %arg5: memref<2048x1xf32, #tpu.memory_space<vmem>>, %arg6: memref<2048x1xf32, #tpu.memory_space<vmem>>, %arg7: memref<2048x1xf32, #tpu.memory_space<vmem>>, %arg8: memref<128x3xi32, #tpu.memory_space<vmem>>) attributes {dimension_semantics = [], scalar_prefetch = 0 : i64, scratch_operands = 0 : i64, tpu.core_type = #tpu.core_type<tc>} {
    %get3A = arith.constant 0 : index
    %get3A_0 = arith.constant 0 : index
    %get3A_1 = vector.load %arg0[%get3A, %get3A_0] : memref<2048x1024xf32, #tpu.memory_space<vmem>>, vector<2048x1024xf32>
    %get3A_2 = arith.constant 0 : index
    %get3A_3 = arith.constant 0 : index
    %get3A_4 = vector.load %arg1[%get3A_2, %get3A_3] : memref<80x1024xf32, #tpu.memory_space<vmem>>, vector<80x1024xf32>
    %dot_general3A = arith.constant dense<0.000000e+00> : vector<2048x80xf32>
    %dot_general3A_5 = tpu.matmul %get3A_1, %get3A_4, %dot_general3A {dimension_numbers = #tpu.dot_dimension_numbers<[1], [1], [0], [0], [0, 0, 1, 0], [], []>, transpose_lhs_hint = false} : vector<2048x1024xf32>, vector<80x1024xf32>, vector<2048x80xf32> -> vector<2048x80xf32>
    %logistic3A = arith.negf %dot_general3A_5 : vector<2048x80xf32>
    %logistic3A_6 = math.exp %logistic3A : vector<2048x80xf32>
    %logistic3A_7 = arith.constant 1.000000e+00 : f32
    %logistic3A_8 = vector.broadcast %logistic3A_7 : f32 to vector<2048x80xf32>
    %logistic3A_9 = arith.addf %logistic3A_8, %logistic3A_6 : vector<2048x80xf32>
    %logistic3A_10 = arith.divf %logistic3A_8, %logistic3A_9 : vector<2048x80xf32>
    %get3A_11 = arith.constant 0 : index
    %get3A_12 = arith.constant 0 : index
    %get3A_13 = vector.load %arg2[%get3A_11, %get3A_12] : memref<1x80xf32, #tpu.memory_space<vmem>>, vector<1x80xf32>
    %add3A = vector.broadcast %get3A_13 : vector<1x80xf32> to vector<2048x80xf32>
    %add3A_14 = arith.addf %logistic3A_10, %add3A : vector<2048x80xf32>
    %iota3A = tpu.iota {dimensions = array<i32: 1>} : vector<2048x80xi32>
    %reduce_max3A = arith.constant dense<0xFF800000> : vector<2048xf32>
    %reduce_max3A_15 = vector.multi_reduction <maximumf>, %add3A_14, %reduce_max3A [1] : vector<2048x80xf32> to vector<2048xf32>
    %broadcast_in_dim3A = vector.shape_cast %reduce_max3A_15 : vector<2048xf32> to vector<2048x1xf32>
    %eq3A = vector.broadcast %broadcast_in_dim3A : vector<2048x1xf32> to vector<2048x80xf32>
    %eq3A_16 = arith.cmpf oeq, %add3A_14, %eq3A : vector<2048x80xf32>
    %jit3A = arith.constant 80 : i32
    %broadcast_in_dim3A_17 = vector.broadcast %jit3A : i32 to vector<2048x80xi32>
    %select_n3A = arith.select %eq3A_16, %iota3A, %broadcast_in_dim3A_17 : vector<2048x80xi1>, vector<2048x80xi32>
    %reduce_min3A = arith.constant dense<2147483647> : vector<2048xi32>
    %reduce_min3A_18 = vector.multi_reduction <minsi>, %select_n3A, %reduce_min3A [1] : vector<2048x80xi32> to vector<2048xi32>
    %broadcast_in_dim3A_19 = vector.shape_cast %reduce_min3A_18 : vector<2048xi32> to vector<2048x1xi32>
    %eq3A_20 = vector.broadcast %broadcast_in_dim3A_19 : vector<2048x1xi32> to vector<2048x80xi32>
    %eq3A_21 = arith.cmpi eq, %iota3A, %eq3A_20 : vector<2048x80xi32>
    %jit3A_22 = arith.constant 0xFF800000 : f32
    %broadcast_in_dim3A_23 = vector.broadcast %jit3A_22 : f32 to vector<2048x80xf32>
    %select_n3A_24 = arith.select %eq3A_21, %broadcast_in_dim3A_23, %add3A_14 : vector<2048x80xi1>, vector<2048x80xf32>
    %reduce_max3A_25 = arith.constant dense<0xFF800000> : vector<2048xf32>
    %reduce_max3A_26 = vector.multi_reduction <maximumf>, %select_n3A_24, %reduce_max3A_25 [1] : vector<2048x80xf32> to vector<2048xf32>
    %broadcast_in_dim3A_27 = vector.shape_cast %reduce_max3A_26 : vector<2048xf32> to vector<2048x1xf32>
    %eq3A_28 = vector.broadcast %broadcast_in_dim3A_27 : vector<2048x1xf32> to vector<2048x80xf32>
    %eq3A_29 = arith.cmpf oeq, %select_n3A_24, %eq3A_28 : vector<2048x80xf32>
    %jit3A_30 = arith.constant 80 : i32
    %broadcast_in_dim3A_31 = vector.broadcast %jit3A_30 : i32 to vector<2048x80xi32>
    %select_n3A_32 = arith.select %eq3A_29, %iota3A, %broadcast_in_dim3A_31 : vector<2048x80xi1>, vector<2048x80xi32>
    %reduce_min3A_33 = arith.constant dense<2147483647> : vector<2048xi32>
    %reduce_min3A_34 = vector.multi_reduction <minsi>, %select_n3A_32, %reduce_min3A_33 [1] : vector<2048x80xi32> to vector<2048xi32>
    %broadcast_in_dim3A_35 = vector.shape_cast %reduce_min3A_34 : vector<2048xi32> to vector<2048x1xi32>
    %eq3A_36 = vector.broadcast %broadcast_in_dim3A_19 : vector<2048x1xi32> to vector<2048x80xi32>
    %eq3A_37 = arith.cmpi eq, %iota3A, %eq3A_36 : vector<2048x80xi32>
    %jit3A_38 = arith.constant 0.000000e+00 : f32
    %broadcast_in_dim3A_39 = vector.broadcast %jit3A_38 : f32 to vector<2048x80xf32>
    %select_n3A_40 = arith.select %eq3A_37, %logistic3A_10, %broadcast_in_dim3A_39 : vector<2048x80xi1>, vector<2048x80xf32>
    %reduce_sum3A = arith.constant dense<0.000000e+00> : vector<2048xf32>
    %reduce_sum3A_41 = vector.multi_reduction <add>, %select_n3A_40, %reduce_sum3A [1] : vector<2048x80xf32> to vector<2048xf32>
    %broadcast_in_dim3A_42 = vector.shape_cast %reduce_sum3A_41 : vector<2048xf32> to vector<2048x1xf32>
    %eq3A_43 = vector.broadcast %broadcast_in_dim3A_35 : vector<2048x1xi32> to vector<2048x80xi32>
    %eq3A_44 = arith.cmpi eq, %iota3A, %eq3A_43 : vector<2048x80xi32>
    %jit3A_45 = arith.constant 0.000000e+00 : f32
    %broadcast_in_dim3A_46 = vector.broadcast %jit3A_45 : f32 to vector<2048x80xf32>
    %select_n3A_47 = arith.select %eq3A_44, %logistic3A_10, %broadcast_in_dim3A_46 : vector<2048x80xi1>, vector<2048x80xf32>
    %reduce_sum3A_48 = arith.constant dense<0.000000e+00> : vector<2048xf32>
    %reduce_sum3A_49 = vector.multi_reduction <add>, %select_n3A_47, %reduce_sum3A_48 [1] : vector<2048x80xf32> to vector<2048xf32>
    %broadcast_in_dim3A_50 = vector.shape_cast %reduce_sum3A_49 : vector<2048xf32> to vector<2048x1xf32>
    %add3A_51 = arith.addf %broadcast_in_dim3A_42, %broadcast_in_dim3A_50 : vector<2048x1xf32>
    %add3A_52 = arith.constant 9.99999968E-21 : f32
    %add3A_53 = vector.broadcast %add3A_52 : f32 to vector<2048x1xf32>
    %add3A_54 = arith.addf %add3A_51, %add3A_53 : vector<2048x1xf32>
    %div3A = arith.divf %broadcast_in_dim3A_42, %add3A_54 : vector<2048x1xf32>
    %div3A_55 = arith.divf %broadcast_in_dim3A_50, %add3A_54 : vector<2048x1xf32>
    %ge3A = arith.constant 64 : i32
    %ge3A_56 = vector.broadcast %ge3A : i32 to vector<2048x1xi32>
    %ge3A_57 = arith.cmpi sge, %broadcast_in_dim3A_19, %ge3A_56 : vector<2048x1xi32>
    %ge3A_58 = arith.constant 64 : i32
    %ge3A_59 = vector.broadcast %ge3A_58 : i32 to vector<2048x1xi32>
    %ge3A_60 = arith.cmpi sge, %broadcast_in_dim3A_35, %ge3A_59 : vector<2048x1xi32>
    %jit3A_61 = arith.constant 0.000000e+00 : f32
    %broadcast_in_dim3A_62 = vector.broadcast %jit3A_61 : f32 to vector<2048x1xf32>
    %select_n3A_63 = arith.select %ge3A_57, %div3A, %broadcast_in_dim3A_62 : vector<2048x1xi1>, vector<2048x1xf32>
    %jit3A_64 = arith.constant 0.000000e+00 : f32
    %broadcast_in_dim3A_65 = vector.broadcast %jit3A_64 : f32 to vector<2048x1xf32>
    %select_n3A_66 = arith.select %ge3A_60, %div3A_55, %broadcast_in_dim3A_65 : vector<2048x1xi1>, vector<2048x1xf32>
    %add3A_67 = arith.addf %select_n3A_63, %select_n3A_66 : vector<2048x1xf32>
    %swap3A = arith.constant 0 : index
    %swap3A_68 = arith.constant 0 : index
    %swap3A_69 = vector.load %arg7[%swap3A, %swap3A_68] : memref<2048x1xf32, #tpu.memory_space<vmem>>, vector<2048x1xf32>
    tpu.vector_store %arg7[%swap3A, %swap3A_68], %add3A_67 {strides = array<i32>} : memref<2048x1xf32, #tpu.memory_space<vmem>>, vector<2048x1xf32>,
    %jit3A_70 = arith.constant 0 : i32
    %broadcast_in_dim3A_71 = vector.broadcast %jit3A_70 : i32 to vector<2048x1xi32>
    %select_n3A_72 = arith.select %ge3A_57, %broadcast_in_dim3A_71, %broadcast_in_dim3A_19 : vector<2048x1xi1>, vector<2048x1xi32>
    %jit3A_73 = arith.constant 0 : i32
    %broadcast_in_dim3A_74 = vector.broadcast %jit3A_73 : i32 to vector<2048x1xi32>
    %select_n3A_75 = arith.select %ge3A_60, %broadcast_in_dim3A_74, %broadcast_in_dim3A_35 : vector<2048x1xi1>, vector<2048x1xi32>
    %jit3A_76 = arith.constant 0.000000e+00 : f32
    %broadcast_in_dim3A_77 = vector.broadcast %jit3A_76 : f32 to vector<2048x1xf32>
    %select_n3A_78 = arith.select %ge3A_57, %broadcast_in_dim3A_77, %div3A : vector<2048x1xi1>, vector<2048x1xf32>
    %mul3A = arith.constant 2.500000e+00 : f32
    %mul3A_79 = vector.broadcast %mul3A : f32 to vector<2048x1xf32>
    %mul3A_80 = arith.mulf %select_n3A_78, %mul3A_79 : vector<2048x1xf32>
    %swap3A_81 = arith.constant 0 : index
    %swap3A_82 = arith.constant 0 : index
    %swap3A_83 = vector.load %arg5[%swap3A_81, %swap3A_82] : memref<2048x1xf32, #tpu.memory_space<vmem>>, vector<2048x1xf32>
    tpu.vector_store %arg5[%swap3A_81, %swap3A_82], %mul3A_80 {strides = array<i32>} : memref<2048x1xf32, #tpu.memory_space<vmem>>, vector<2048x1xf32>,
    %jit3A_84 = arith.constant 0.000000e+00 : f32
    %broadcast_in_dim3A_85 = vector.broadcast %jit3A_84 : f32 to vector<2048x1xf32>
    %select_n3A_86 = arith.select %ge3A_60, %broadcast_in_dim3A_85, %div3A_55 : vector<2048x1xi1>, vector<2048x1xf32>
    %mul3A_87 = arith.constant 2.500000e+00 : f32
    %mul3A_88 = vector.broadcast %mul3A_87 : f32 to vector<2048x1xf32>
    %mul3A_89 = arith.mulf %select_n3A_86, %mul3A_88 : vector<2048x1xf32>
    %swap3A_90 = arith.constant 0 : index
    %swap3A_91 = arith.constant 0 : index
    %swap3A_92 = vector.load %arg6[%swap3A_90, %swap3A_91] : memref<2048x1xf32, #tpu.memory_space<vmem>>, vector<2048x1xf32>
    tpu.vector_store %arg6[%swap3A_90, %swap3A_91], %mul3A_89 {strides = array<i32>} : memref<2048x1xf32, #tpu.memory_space<vmem>>, vector<2048x1xf32>,
    %iota3A_93 = tpu.iota {dimensions = array<i32: 1>} : vector<2048x64xi32>
    %eq3A_94 = vector.broadcast %select_n3A_72 : vector<2048x1xi32> to vector<2048x64xi32>
    %eq3A_95 = arith.cmpi eq, %iota3A_93, %eq3A_94 : vector<2048x64xi32>
    %convert_element_type3A = arith.extui %eq3A_95 : vector<2048x64xi1> to vector<2048x64xi32>
    %convert_element_type3A_96 = arith.sitofp %convert_element_type3A : vector<2048x64xi32> to vector<2048x64xf32>
    %eq3A_97 = vector.broadcast %select_n3A_75 : vector<2048x1xi32> to vector<2048x64xi32>
    %eq3A_98 = arith.cmpi eq, %iota3A_93, %eq3A_97 : vector<2048x64xi32>
    %convert_element_type3A_99 = arith.extui %eq3A_98 : vector<2048x64xi1> to vector<2048x64xi32>
    %convert_element_type3A_100 = arith.sitofp %convert_element_type3A_99 : vector<2048x64xi32> to vector<2048x64xf32>
    %add3A_101 = arith.addf %convert_element_type3A_96, %convert_element_type3A_100 : vector<2048x64xf32>
    %iota3A_102 = tpu.iota {dimensions = array<i32: 0>} : vector<128x128xi32>
    %iota3A_103 = tpu.iota {dimensions = array<i32: 1>} : vector<128x128xi32>
    %ge3A_104 = arith.cmpi sge, %iota3A_102, %iota3A_103 : vector<128x128xi32>
    %convert_element_type3A_105 = arith.extui %ge3A_104 : vector<128x128xi1> to vector<128x128xi32>
    %convert_element_type3A_106 = arith.sitofp %convert_element_type3A_105 : vector<128x128xi32> to vector<128x128xf32>
    %slice3A = vector.extract_strided_slice %add3A_101 {offsets = [0, 0], sizes = [128, 64], strides = [1, 1]} : vector<2048x64xf32> to vector<128x64xf32>
    %dot_general3A_107 = arith.constant dense<0.000000e+00> : vector<128x64xf32>
    %dot_general3A_108 = tpu.matmul %convert_element_type3A_106, %slice3A, %dot_general3A_107 {dimension_numbers = #tpu.dot_dimension_numbers<[1], [0], [0], [1], [0, 0, 1, 1], [], []>, precision = #tpu.contract_precision<fp32>, transpose_lhs_hint = false} : vector<128x128xf32>, vector<128x64xf32>, vector<128x64xf32> -> vector<128x64xf32>
    %slice3A_109 = vector.extract_strided_slice %add3A_101 {offsets = [128, 0], sizes = [128, 64], strides = [1, 1]} : vector<2048x64xf32> to vector<128x64xf32>
    %dot_general3A_110 = arith.constant dense<0.000000e+00> : vector<128x64xf32>
    %dot_general3A_111 = tpu.matmul %convert_element_type3A_106, %slice3A_109, %dot_general3A_110 {dimension_numbers = #tpu.dot_dimension_numbers<[1], [0], [0], [1], [0, 0, 1, 1], [], []>, precision = #tpu.contract_precision<fp32>, transpose_lhs_hint = false} : vector<128x128xf32>, vector<128x64xf32>, vector<128x64xf32> -> vector<128x64xf32>
    %slice3A_112 = vector.extract_strided_slice %add3A_101 {offsets = [256, 0], sizes = [128, 64], strides = [1, 1]} : vector<2048x64xf32> to vector<128x64xf32>
    %dot_general3A_113 = arith.constant dense<0.000000e+00> : vector<128x64xf32>
    %dot_general3A_114 = tpu.matmul %convert_element_type3A_106, %slice3A_112, %dot_general3A_113 {dimension_numbers = #tpu.dot_dimension_numbers<[1], [0], [0], [1], [0, 0, 1, 1], [], []>, precision = #tpu.contract_precision<fp32>, transpose_lhs_hint = false} : vector<128x128xf32>, vector<128x64xf32>, vector<128x64xf32> -> vector<128x64xf32>
    %slice3A_115 = vector.extract_strided_slice %add3A_101 {offsets = [384, 0], sizes = [128, 64], strides = [1, 1]} : vector<2048x64xf32> to vector<128x64xf32>
    %dot_general3A_116 = arith.constant dense<0.000000e+00> : vector<128x64xf32>
    %dot_general3A_117 = tpu.matmul %convert_element_type3A_106, %slice3A_115, %dot_general3A_116 {dimension_numbers = #tpu.dot_dimension_numbers<[1], [0], [0], [1], [0, 0, 1, 1], [], []>, precision = #tpu.contract_precision<fp32>, transpose_lhs_hint = false} : vector<128x128xf32>, vector<128x64xf32>, vector<128x64xf32> -> vector<128x64xf32>
    %slice3A_118 = vector.extract_strided_slice %add3A_101 {offsets = [512, 0], sizes = [128, 64], strides = [1, 1]} : vector<2048x64xf32> to vector<128x64xf32>
    %dot_general3A_119 = arith.constant dense<0.000000e+00> : vector<128x64xf32>
    %dot_general3A_120 = tpu.matmul %convert_element_type3A_106, %slice3A_118, %dot_general3A_119 {dimension_numbers = #tpu.dot_dimension_numbers<[1], [0], [0], [1], [0, 0, 1, 1], [], []>, precision = #tpu.contract_precision<fp32>, transpose_lhs_hint = false} : vector<128x128xf32>, vector<128x64xf32>, vector<128x64xf32> -> vector<128x64xf32>
    %slice3A_121 = vector.extract_strided_slice %add3A_101 {offsets = [640, 0], sizes = [128, 64], strides = [1, 1]} : vector<2048x64xf32> to vector<128x64xf32>
    %dot_general3A_122 = arith.constant dense<0.000000e+00> : vector<128x64xf32>
    %dot_general3A_123 = tpu.matmul %convert_element_type3A_106, %slice3A_121, %dot_general3A_122 {dimension_numbers = #tpu.dot_dimension_numbers<[1], [0], [0], [1], [0, 0, 1, 1], [], []>, precision = #tpu.contract_precision<fp32>, transpose_lhs_hint = false} : vector<128x128xf32>, vector<128x64xf32>, vector<128x64xf32> -> vector<128x64xf32>
    %slice3A_124 = vector.extract_strided_slice %add3A_101 {offsets = [768, 0], sizes = [128, 64], strides = [1, 1]} : vector<2048x64xf32> to vector<128x64xf32>
    %dot_general3A_125 = arith.constant dense<0.000000e+00> : vector<128x64xf32>
    %dot_general3A_126 = tpu.matmul %convert_element_type3A_106, %slice3A_124, %dot_general3A_125 {dimension_numbers = #tpu.dot_dimension_numbers<[1], [0], [0], [1], [0, 0, 1, 1], [], []>, precision = #tpu.contract_precision<fp32>, transpose_lhs_hint = false} : vector<128x128xf32>, vector<128x64xf32>, vector<128x64xf32> -> vector<128x64xf32>
    %slice3A_127 = vector.extract_strided_slice %add3A_101 {offsets = [896, 0], sizes = [128, 64], strides = [1, 1]} : vector<2048x64xf32> to vector<128x64xf32>
    %dot_general3A_128 = arith.constant dense<0.000000e+00> : vector<128x64xf32>
    %dot_general3A_129 = tpu.matmul %convert_element_type3A_106, %slice3A_127, %dot_general3A_128 {dimension_numbers = #tpu.dot_dimension_numbers<[1], [0], [0], [1], [0, 0, 1, 1], [], []>, precision = #tpu.contract_precision<fp32>, transpose_lhs_hint = false} : vector<128x128xf32>, vector<128x64xf32>, vector<128x64xf32> -> vector<128x64xf32>
    %slice3A_130 = vector.extract_strided_slice %add3A_101 {offsets = [1024, 0], sizes = [128, 64], strides = [1, 1]} : vector<2048x64xf32> to vector<128x64xf32>
    %dot_general3A_131 = arith.constant dense<0.000000e+00> : vector<128x64xf32>
    %dot_general3A_132 = tpu.matmul %convert_element_type3A_106, %slice3A_130, %dot_general3A_131 {dimension_numbers = #tpu.dot_dimension_numbers<[1], [0], [0], [1], [0, 0, 1, 1], [], []>, precision = #tpu.contract_precision<fp32>, transpose_lhs_hint = false} : vector<128x128xf32>, vector<128x64xf32>, vector<128x64xf32> -> vector<128x64xf32>
    %slice3A_133 = vector.extract_strided_slice %add3A_101 {offsets = [1152, 0], sizes = [128, 64], strides = [1, 1]} : vector<2048x64xf32> to vector<128x64xf32>
    %dot_general3A_134 = arith.constant dense<0.000000e+00> : vector<128x64xf32>
    %dot_general3A_135 = tpu.matmul %convert_element_type3A_106, %slice3A_133, %dot_general3A_134 {dimension_numbers = #tpu.dot_dimension_numbers<[1], [0], [0], [1], [0, 0, 1, 1], [], []>, precision = #tpu.contract_precision<fp32>, transpose_lhs_hint = false} : vector<128x128xf32>, vector<128x64xf32>, vector<128x64xf32> -> vector<128x64xf32>
    %slice3A_136 = vector.extract_strided_slice %add3A_101 {offsets = [1280, 0], sizes = [128, 64], strides = [1, 1]} : vector<2048x64xf32> to vector<128x64xf32>
    %dot_general3A_137 = arith.constant dense<0.000000e+00> : vector<128x64xf32>
    %dot_general3A_138 = tpu.matmul %convert_element_type3A_106, %slice3A_136, %dot_general3A_137 {dimension_numbers = #tpu.dot_dimension_numbers<[1], [0], [0], [1], [0, 0, 1, 1], [], []>, precision = #tpu.contract_precision<fp32>, transpose_lhs_hint = false} : vector<128x128xf32>, vector<128x64xf32>, vector<128x64xf32> -> vector<128x64xf32>
    %slice3A_139 = vector.extract_strided_slice %add3A_101 {offsets = [1408, 0], sizes = [128, 64], strides = [1, 1]} : vector<2048x64xf32> to vector<128x64xf32>
    %dot_general3A_140 = arith.constant dense<0.000000e+00> : vector<128x64xf32>
    %dot_general3A_141 = tpu.matmul %convert_element_type3A_106, %slice3A_139, %dot_general3A_140 {dimension_numbers = #tpu.dot_dimension_numbers<[1], [0], [0], [1], [0, 0, 1, 1], [], []>, precision = #tpu.contract_precision<fp32>, transpose_lhs_hint = false} : vector<128x128xf32>, vector<128x64xf32>, vector<128x64xf32> -> vector<128x64xf32>
    %slice3A_142 = vector.extract_strided_slice %add3A_101 {offsets = [1536, 0], sizes = [128, 64], strides = [1, 1]} : vector<2048x64xf32> to vector<128x64xf32>
    %dot_general3A_143 = arith.constant dense<0.000000e+00> : vector<128x64xf32>
    %dot_general3A_144 = tpu.matmul %convert_element_type3A_106, %slice3A_142, %dot_general3A_143 {dimension_numbers = #tpu.dot_dimension_numbers<[1], [0], [0], [1], [0, 0, 1, 1], [], []>, precision = #tpu.contract_precision<fp32>, transpose_lhs_hint = false} : vector<128x128xf32>, vector<128x64xf32>, vector<128x64xf32> -> vector<128x64xf32>
    %slice3A_145 = vector.extract_strided_slice %add3A_101 {offsets = [1664, 0], sizes = [128, 64], strides = [1, 1]} : vector<2048x64xf32> to vector<128x64xf32>
    %dot_general3A_146 = arith.constant dense<0.000000e+00> : vector<128x64xf32>
    %dot_general3A_147 = tpu.matmul %convert_element_type3A_106, %slice3A_145, %dot_general3A_146 {dimension_numbers = #tpu.dot_dimension_numbers<[1], [0], [0], [1], [0, 0, 1, 1], [], []>, precision = #tpu.contract_precision<fp32>, transpose_lhs_hint = false} : vector<128x128xf32>, vector<128x64xf32>, vector<128x64xf32> -> vector<128x64xf32>
    %slice3A_148 = vector.extract_strided_slice %add3A_101 {offsets = [1792, 0], sizes = [128, 64], strides = [1, 1]} : vector<2048x64xf32> to vector<128x64xf32>
    %dot_general3A_149 = arith.constant dense<0.000000e+00> : vector<128x64xf32>
    %dot_general3A_150 = tpu.matmul %convert_element_type3A_106, %slice3A_148, %dot_general3A_149 {dimension_numbers = #tpu.dot_dimension_numbers<[1], [0], [0], [1], [0, 0, 1, 1], [], []>, precision = #tpu.contract_precision<fp32>, transpose_lhs_hint = false} : vector<128x128xf32>, vector<128x64xf32>, vector<128x64xf32> -> vector<128x64xf32>
    %slice3A_151 = vector.extract_strided_slice %add3A_101 {offsets = [1920, 0], sizes = [128, 64], strides = [1, 1]} : vector<2048x64xf32> to vector<128x64xf32>
    %dot_general3A_152 = arith.constant dense<0.000000e+00> : vector<128x64xf32>
    %dot_general3A_153 = tpu.matmul %convert_element_type3A_106, %slice3A_151, %dot_general3A_152 {dimension_numbers = #tpu.dot_dimension_numbers<[1], [0], [0], [1], [0, 0, 1, 1], [], []>, precision = #tpu.contract_precision<fp32>, transpose_lhs_hint = false} : vector<128x128xf32>, vector<128x64xf32>, vector<128x64xf32> -> vector<128x64xf32>
    %concatenate3A = tpu.concatenate %dot_general3A_108, %dot_general3A_111, %dot_general3A_114, %dot_general3A_117, %dot_general3A_120, %dot_general3A_123, %dot_general3A_126, %dot_general3A_129, %dot_general3A_132, %dot_general3A_135, %dot_general3A_138, %dot_general3A_141, %dot_general3A_144, %dot_general3A_147, %dot_general3A_150, %dot_general3A_153 in 0 : vector<128x64xf32>, vector<128x64xf32>, vector<128x64xf32>, vector<128x64xf32>, vector<128x64xf32>, vector<128x64xf32>, vector<128x64xf32>, vector<128x64xf32>, vector<128x64xf32>, vector<128x64xf32>, vector<128x64xf32>, vector<128x64xf32>, vector<128x64xf32>, vector<128x64xf32>, vector<128x64xf32>, vector<128x64xf32> -> vector<2048x64xf32>
    %iota3A_154 = tpu.iota {dimensions = array<i32: 0>} : vector<16x2048xi32>
    %iota3A_155 = tpu.iota {dimensions = array<i32: 1>} : vector<16x2048xi32>
    %jit3A_156 = arith.constant 128 : i32
    %div3A_157 = vector.broadcast %jit3A_156 : i32 to vector<16x2048xi32>
    %div3A_158 = arith.divsi %iota3A_155, %div3A_157 : vector<16x2048xi32>
    %sign3A = arith.constant 0 : i32
    %sign3A_159 = vector.broadcast %sign3A : i32 to vector<16x2048xi32>
    %sign3A_160 = arith.cmpi sgt, %iota3A_155, %sign3A_159 : vector<16x2048xi32>
    %sign3A_161 = arith.extui %sign3A_160 : vector<16x2048xi1> to vector<16x2048xi32>
    %sign3A_162 = arith.constant 0 : i32
    %sign3A_163 = vector.broadcast %sign3A_162 : i32 to vector<16x2048xi32>
    %sign3A_164 = arith.cmpi slt, %iota3A_155, %sign3A_163 : vector<16x2048xi32>
    %sign3A_165 = arith.extui %sign3A_164 : vector<16x2048xi1> to vector<16x2048xi32>
    %sign3A_166 = arith.subi %sign3A_161, %sign3A_165 : vector<16x2048xi32>
    %sign3A_167 = arith.constant 0 : i32
    %sign3A_168 = arith.cmpi sgt, %jit3A_156, %sign3A_167 : i32
    %sign3A_169 = arith.extui %sign3A_168 : i1 to i32
    %sign3A_170 = arith.constant 0 : i32
    %sign3A_171 = arith.cmpi slt, %jit3A_156, %sign3A_170 : i32
    %sign3A_172 = arith.extui %sign3A_171 : i1 to i32
    %sign3A_173 = arith.subi %sign3A_169, %sign3A_172 : i32
    %ne3A = vector.broadcast %sign3A_173 : i32 to vector<16x2048xi32>
    %ne3A_174 = arith.cmpi ne, %sign3A_166, %ne3A : vector<16x2048xi32>
    %rem3A = vector.broadcast %jit3A_156 : i32 to vector<16x2048xi32>
    %rem3A_175 = arith.remsi %iota3A_155, %rem3A : vector<16x2048xi32>
    %ne3A_176 = arith.constant 0 : i32
    %ne3A_177 = vector.broadcast %ne3A_176 : i32 to vector<16x2048xi32>
    %ne3A_178 = arith.cmpi ne, %rem3A_175, %ne3A_177 : vector<16x2048xi32>
    %and3A = arith.andi %ne3A_174, %ne3A_178 : vector<16x2048xi1>
    %sub3A = arith.constant 1 : i32
    %sub3A_179 = vector.broadcast %sub3A : i32 to vector<16x2048xi32>
    %sub3A_180 = arith.subi %div3A_158, %sub3A_179 : vector<16x2048xi32>
    %select_n3A_181 = arith.select %and3A, %sub3A_180, %div3A_158 : vector<16x2048xi1>, vector<16x2048xi32>
    %eq3A_182 = arith.cmpi eq, %iota3A_154, %select_n3A_181 : vector<16x2048xi32>
    %convert_element_type3A_183 = arith.extui %eq3A_182 : vector<16x2048xi1> to vector<16x2048xi32>
    %convert_element_type3A_184 = arith.sitofp %convert_element_type3A_183 : vector<16x2048xi32> to vector<16x2048xf32>
    %dot_general3A_185 = arith.constant dense<0.000000e+00> : vector<16x64xf32>
    %dot_general3A_186 = tpu.matmul %convert_element_type3A_184, %add3A_101, %dot_general3A_185 {dimension_numbers = #tpu.dot_dimension_numbers<[1], [0], [0], [1], [0, 0, 1, 1], [], []>, precision = #tpu.contract_precision<fp32>, transpose_lhs_hint = false} : vector<16x2048xf32>, vector<2048x64xf32>, vector<16x64xf32> -> vector<16x64xf32>
    %iota3A_187 = tpu.iota {dimensions = array<i32: 0>} : vector<16x16xi32>
    %iota3A_188 = tpu.iota {dimensions = array<i32: 1>} : vector<16x16xi32>
    %gt3A = arith.cmpi sgt, %iota3A_187, %iota3A_188 : vector<16x16xi32>
    %convert_element_type3A_189 = arith.extui %gt3A : vector<16x16xi1> to vector<16x16xi32>
    %convert_element_type3A_190 = arith.sitofp %convert_element_type3A_189 : vector<16x16xi32> to vector<16x16xf32>
    %dot_general3A_191 = arith.constant dense<0.000000e+00> : vector<16x64xf32>
    %dot_general3A_192 = tpu.matmul %convert_element_type3A_190, %dot_general3A_186, %dot_general3A_191 {dimension_numbers = #tpu.dot_dimension_numbers<[1], [0], [0], [1], [0, 0, 1, 1], [], []>, precision = #tpu.contract_precision<fp32>, transpose_lhs_hint = false} : vector<16x16xf32>, vector<16x64xf32>, vector<16x64xf32> -> vector<16x64xf32>
    %iota3A_193 = tpu.iota {dimensions = array<i32: 0>} : vector<2048x16xi32>
    %jit3A_194 = arith.constant 128 : i32
    %div3A_195 = vector.broadcast %jit3A_194 : i32 to vector<2048x16xi32>
    %div3A_196 = arith.divsi %iota3A_193, %div3A_195 : vector<2048x16xi32>
    %sign3A_197 = arith.constant 0 : i32
    %sign3A_198 = vector.broadcast %sign3A_197 : i32 to vector<2048x16xi32>
    %sign3A_199 = arith.cmpi sgt, %iota3A_193, %sign3A_198 : vector<2048x16xi32>
    %sign3A_200 = arith.extui %sign3A_199 : vector<2048x16xi1> to vector<2048x16xi32>
    %sign3A_201 = arith.constant 0 : i32
    %sign3A_202 = vector.broadcast %sign3A_201 : i32 to vector<2048x16xi32>
    %sign3A_203 = arith.cmpi slt, %iota3A_193, %sign3A_202 : vector<2048x16xi32>
    %sign3A_204 = arith.extui %sign3A_203 : vector<2048x16xi1> to vector<2048x16xi32>
    %sign3A_205 = arith.subi %sign3A_200, %sign3A_204 : vector<2048x16xi32>
    %sign3A_206 = arith.constant 0 : i32
    %sign3A_207 = arith.cmpi sgt, %jit3A_194, %sign3A_206 : i32
    %sign3A_208 = arith.extui %sign3A_207 : i1 to i32
    %sign3A_209 = arith.constant 0 : i32
    %sign3A_210 = arith.cmpi slt, %jit3A_194, %sign3A_209 : i32
    %sign3A_211 = arith.extui %sign3A_210 : i1 to i32
    %sign3A_212 = arith.subi %sign3A_208, %sign3A_211 : i32
    %ne3A_213 = vector.broadcast %sign3A_212 : i32 to vector<2048x16xi32>
    %ne3A_214 = arith.cmpi ne, %sign3A_205, %ne3A_213 : vector<2048x16xi32>
    %rem3A_215 = vector.broadcast %jit3A_194 : i32 to vector<2048x16xi32>
    %rem3A_216 = arith.remsi %iota3A_193, %rem3A_215 : vector<2048x16xi32>
    %ne3A_217 = arith.constant 0 : i32
    %ne3A_218 = vector.broadcast %ne3A_217 : i32 to vector<2048x16xi32>
    %ne3A_219 = arith.cmpi ne, %rem3A_216, %ne3A_218 : vector<2048x16xi32>
    %and3A_220 = arith.andi %ne3A_214, %ne3A_219 : vector<2048x16xi1>
    %sub3A_221 = arith.constant 1 : i32
    %sub3A_222 = vector.broadcast %sub3A_221 : i32 to vector<2048x16xi32>
    %sub3A_223 = arith.subi %div3A_196, %sub3A_222 : vector<2048x16xi32>
    %select_n3A_224 = arith.select %and3A_220, %sub3A_223, %div3A_196 : vector<2048x16xi1>, vector<2048x16xi32>
    %iota3A_225 = tpu.iota {dimensions = array<i32: 1>} : vector<2048x16xi32>
    %eq3A_226 = arith.cmpi eq, %select_n3A_224, %iota3A_225 : vector<2048x16xi32>
    %convert_element_type3A_227 = arith.extui %eq3A_226 : vector<2048x16xi1> to vector<2048x16xi32>
    %convert_element_type3A_228 = arith.sitofp %convert_element_type3A_227 : vector<2048x16xi32> to vector<2048x16xf32>
    %dot_general3A_229 = arith.constant dense<0.000000e+00> : vector<2048x64xf32>
    %dot_general3A_230 = tpu.matmul %convert_element_type3A_228, %dot_general3A_192, %dot_general3A_229 {dimension_numbers = #tpu.dot_dimension_numbers<[1], [0], [0], [1], [0, 0, 1, 1], [], []>, precision = #tpu.contract_precision<fp32>, transpose_lhs_hint = false} : vector<2048x16xf32>, vector<16x64xf32>, vector<2048x64xf32> -> vector<2048x64xf32>
    %add3A_231 = arith.addf %concatenate3A, %dot_general3A_230 : vector<2048x64xf32>
    %sub3A_232 = arith.subf %add3A_231, %add3A_101 : vector<2048x64xf32>
    %mul3A_233 = arith.mulf %sub3A_232, %convert_element_type3A_96 : vector<2048x64xf32>
    %reduce_sum3A_234 = arith.constant dense<0.000000e+00> : vector<2048xf32>
    %reduce_sum3A_235 = vector.multi_reduction <add>, %mul3A_233, %reduce_sum3A_234 [1] : vector<2048x64xf32> to vector<2048xf32>
    %broadcast_in_dim3A_236 = vector.shape_cast %reduce_sum3A_235 : vector<2048xf32> to vector<2048x1xf32>
    %mul3A_237 = arith.mulf %sub3A_232, %convert_element_type3A_100 : vector<2048x64xf32>
    %reduce_sum3A_238 = arith.constant dense<0.000000e+00> : vector<2048xf32>
    %reduce_sum3A_239 = vector.multi_reduction <add>, %mul3A_237, %reduce_sum3A_238 [1] : vector<2048x64xf32> to vector<2048xf32>
    %broadcast_in_dim3A_240 = vector.shape_cast %reduce_sum3A_239 : vector<2048xf32> to vector<2048x1xf32>
    %eq3A_241 = arith.cmpi eq, %select_n3A_72, %select_n3A_75 : vector<2048x1xi32>
    %convert_element_type3A_242 = arith.extui %eq3A_241 : vector<2048x1xi1> to vector<2048x1xi32>
    %convert_element_type3A_243 = arith.sitofp %convert_element_type3A_242 : vector<2048x1xi32> to vector<2048x1xf32>
    %add3A_244 = arith.addf %broadcast_in_dim3A_240, %convert_element_type3A_243 : vector<2048x1xf32>
    %reduce_sum3A_245 = arith.constant dense<0.000000e+00> : vector<64xf32>
    %reduce_sum3A_246 = vector.multi_reduction <add>, %add3A_101, %reduce_sum3A_245 [0] : vector<2048x64xf32> to vector<64xf32>
    %broadcast_in_dim3A_247 = vector.shape_cast %reduce_sum3A_246 : vector<64xf32> to vector<1x64xf32>
    %add3A_248 = arith.constant 6.300000e+01 : f32
    %add3A_249 = vector.broadcast %add3A_248 : f32 to vector<1x64xf32>
    %add3A_250 = arith.addf %broadcast_in_dim3A_247, %add3A_249 : vector<1x64xf32>
    %div3A_251 = arith.constant 6.400000e+01 : f32
    %div3A_252 = vector.broadcast %div3A_251 : f32 to vector<1x64xf32>
    %div3A_253 = arith.divf %add3A_250, %div3A_252 : vector<1x64xf32>
    %floor3A = math.floor %div3A_253 : vector<1x64xf32>
    %iota3A_254 = tpu.iota {dimensions = array<i32: 0>} : vector<64x64xi32>
    %iota3A_255 = tpu.iota {dimensions = array<i32: 1>} : vector<64x64xi32>
    %lt3A = arith.cmpi slt, %iota3A_254, %iota3A_255 : vector<64x64xi32>
    %convert_element_type3A_256 = arith.extui %lt3A : vector<64x64xi1> to vector<64x64xi32>
    %convert_element_type3A_257 = arith.sitofp %convert_element_type3A_256 : vector<64x64xi32> to vector<64x64xf32>
    %dot_general3A_258 = arith.constant dense<0.000000e+00> : vector<1x64xf32>
    %dot_general3A_259 = tpu.matmul %floor3A, %convert_element_type3A_257, %dot_general3A_258 {dimension_numbers = #tpu.dot_dimension_numbers<[1], [0], [0], [1], [0, 0, 1, 1], [], []>, precision = #tpu.contract_precision<fp32>, transpose_lhs_hint = false} : vector<1x64xf32>, vector<64x64xf32>, vector<1x64xf32> -> vector<1x64xf32>
    %mul3A_260 = arith.constant 6.400000e+01 : f32
    %mul3A_261 = vector.broadcast %mul3A_260 : f32 to vector<1x64xf32>
    %mul3A_262 = arith.mulf %dot_general3A_259, %mul3A_261 : vector<1x64xf32>
    %mul3A_263 = vector.broadcast %mul3A_262 : vector<1x64xf32> to vector<2048x64xf32>
    %mul3A_264 = arith.mulf %mul3A_263, %convert_element_type3A_96 : vector<2048x64xf32>
    %reduce_sum3A_265 = arith.constant dense<0.000000e+00> : vector<2048xf32>
    %reduce_sum3A_266 = vector.multi_reduction <add>, %mul3A_264, %reduce_sum3A_265 [1] : vector<2048x64xf32> to vector<2048xf32>
    %broadcast_in_dim3A_267 = vector.shape_cast %reduce_sum3A_266 : vector<2048xf32> to vector<2048x1xf32>
    %add3A_268 = arith.addf %broadcast_in_dim3A_267, %broadcast_in_dim3A_236 : vector<2048x1xf32>
    %convert_element_type3A_269 = arith.fptosi %add3A_268 : vector<2048x1xf32> to vector<2048x1xi32>
    %swap3A_270 = arith.constant 0 : index
    %swap3A_271 = arith.constant 0 : index
    %swap3A_272 = vector.load %arg3[%swap3A_270, %swap3A_271] : memref<2048x1xi32, #tpu.memory_space<vmem>>, vector<2048x1xi32>
    tpu.vector_store %arg3[%swap3A_270, %swap3A_271], %convert_element_type3A_269 {strides = array<i32>} : memref<2048x1xi32, #tpu.memory_space<vmem>>, vector<2048x1xi32>,
    %mul3A_273 = vector.broadcast %mul3A_262 : vector<1x64xf32> to vector<2048x64xf32>
    %mul3A_274 = arith.mulf %mul3A_273, %convert_element_type3A_100 : vector<2048x64xf32>
    %reduce_sum3A_275 = arith.constant dense<0.000000e+00> : vector<2048xf32>
    %reduce_sum3A_276 = vector.multi_reduction <add>, %mul3A_274, %reduce_sum3A_275 [1] : vector<2048x64xf32> to vector<2048xf32>
    %broadcast_in_dim3A_277 = vector.shape_cast %reduce_sum3A_276 : vector<2048xf32> to vector<2048x1xf32>
    %add3A_278 = arith.addf %broadcast_in_dim3A_277, %add3A_244 : vector<2048x1xf32>
    %convert_element_type3A_279 = arith.fptosi %add3A_278 : vector<2048x1xf32> to vector<2048x1xi32>
    %swap3A_280 = arith.constant 0 : index
    %swap3A_281 = arith.constant 0 : index
    %swap3A_282 = vector.load %arg4[%swap3A_280, %swap3A_281] : memref<2048x1xi32, #tpu.memory_space<vmem>>, vector<2048x1xi32>
    tpu.vector_store %arg4[%swap3A_280, %swap3A_281], %convert_element_type3A_279 {strides = array<i32>} : memref<2048x1xi32, #tpu.memory_space<vmem>>, vector<2048x1xi32>,
    %iota3A_283 = tpu.iota {dimensions = array<i32: 0>} : vector<128x1xi32>
    %convert_element_type3A_284 = arith.fptosi %dot_general3A_259 : vector<1x64xf32> to vector<1x64xi32>
    %convert_element_type3A_285 = arith.fptosi %floor3A : vector<1x64xf32> to vector<1x64xi32>
    %le3A = vector.broadcast %convert_element_type3A_284 : vector<1x64xi32> to vector<128x64xi32>
    %le3A_286 = vector.broadcast %iota3A_283 : vector<128x1xi32> to vector<128x64xi32>
    %le3A_287 = arith.cmpi sle, %le3A, %le3A_286 : vector<128x64xi32>
    %gt3A_288 = arith.constant 0 : i32
    %gt3A_289 = vector.broadcast %gt3A_288 : i32 to vector<1x64xi32>
    %gt3A_290 = arith.cmpi sgt, %convert_element_type3A_285, %gt3A_289 : vector<1x64xi32>
    %and3A_291 = vector.broadcast %gt3A_290 : vector<1x64xi1> to vector<128x64xi1>
    %and3A_292 = arith.andi %le3A_287, %and3A_291 : vector<128x64xi1>
    %iota3A_293 = tpu.iota {dimensions = array<i32: 1>} : vector<128x64xi32>
    %jit3A_294 = arith.constant -1 : i32
    %broadcast_in_dim3A_295 = vector.broadcast %jit3A_294 : i32 to vector<128x64xi32>
    %select_n3A_296 = arith.select %and3A_292, %iota3A_293, %broadcast_in_dim3A_295 : vector<128x64xi1>, vector<128x64xi32>
    %reduce_max3A_297 = arith.constant dense<-2147483648> : vector<128xi32>
    %reduce_max3A_298 = vector.multi_reduction <maxsi>, %select_n3A_296, %reduce_max3A_297 [1] : vector<128x64xi32> to vector<128xi32>
    %broadcast_in_dim3A_299 = vector.shape_cast %reduce_max3A_298 : vector<128xi32> to vector<128x1xi32>
    %max3A = arith.constant 0 : i32
    %max3A_300 = vector.broadcast %max3A : i32 to vector<128x1xi32>
    %max3A_301 = arith.maxsi %broadcast_in_dim3A_299, %max3A_300 : vector<128x1xi32>
    %reduce_sum3A_302 = arith.constant dense<0.000000e+00> : vector<1xf32>
    %reduce_sum3A_303 = vector.multi_reduction <add>, %floor3A, %reduce_sum3A_302 [1] : vector<1x64xf32> to vector<1xf32>
    %broadcast_in_dim3A_304 = vector.shape_cast %reduce_sum3A_303 : vector<1xf32> to vector<1x1xf32>
    %convert_element_type3A_305 = arith.fptosi %broadcast_in_dim3A_304 : vector<1x1xf32> to vector<1x1xi32>
    %lt3A_306 = vector.broadcast %convert_element_type3A_305 : vector<1x1xi32> to vector<128x1xi32>
    %lt3A_307 = arith.cmpi slt, %iota3A_283, %lt3A_306 : vector<128x1xi32>
    %convert_element_type3A_308 = arith.extui %lt3A_307 : vector<128x1xi1> to vector<128x1xi32>
    %sub3A_309 = arith.constant 1 : i32
    %sub3A_310 = vector.broadcast %sub3A_309 : i32 to vector<1x1xi32>
    %sub3A_311 = arith.subi %convert_element_type3A_305, %sub3A_310 : vector<1x1xi32>
    %min3A = vector.broadcast %sub3A_311 : vector<1x1xi32> to vector<128x1xi32>
    %min3A_312 = arith.minsi %iota3A_283, %min3A : vector<128x1xi32>
    %concatenate3A_313 = tpu.concatenate %max3A_301, %convert_element_type3A_308, %min3A_312 in 1 : vector<128x1xi32>, vector<128x1xi32>, vector<128x1xi32> -> vector<128x3xi32>
    %swap3A_314 = arith.constant 0 : index
    %swap3A_315 = arith.constant 0 : index
    %swap3A_316 = vector.load %arg8[%swap3A_314, %swap3A_315] : memref<128x3xi32, #tpu.memory_space<vmem>>, vector<128x3xi32>
    tpu.vector_store %arg8[%swap3A_314, %swap3A_315], %concatenate3A_313 {strides = array<i32>} : memref<128x3xi32, #tpu.memory_space<vmem>>, vector<128x3xi32>,
    return
  }
}

module attributes {stable_mosaic.version = 14 : i64} {
  func.func @_gmm_body(%arg0: i32, %arg1: memref<3x128xi32, #tpu.memory_space<smem>>, %arg2: memref<64x1024xf32, #tpu.memory_space<vmem>>, %arg3: memref<1x256x1024xf32, #tpu.memory_space<vmem>>, %arg4: memref<1x256x1024xf32, #tpu.memory_space<vmem>>, %arg5: memref<1x1024x256xf32, #tpu.memory_space<vmem>>, %arg6: memref<64x1024xf32, #tpu.memory_space<vmem>>) attributes {dimension_semantics = [#tpu.dimension_semantics<arbitrary>], iteration_bounds = array<i64: 128>, scalar_prefetch = 1 : i64, scratch_operands = 0 : i64, tpu.core_type = #tpu.core_type<tc>, window_params = [{transform_indices = @transform_0, window_bounds = array<i64: 64, 1024>}, {transform_indices = @transform_1, window_bounds = array<i64: 1, 256, 1024>}, {transform_indices = @transform_2, window_bounds = array<i64: 1, 256, 1024>}, {transform_indices = @transform_3, window_bounds = array<i64: 1, 1024, 256>}, {transform_indices = @transform_4, window_bounds = array<i64: 64, 1024>}]} {
    %get3A = arith.constant 1 : index
    %get3A_0 = arith.index_cast %arg0 : i32 to index
    %get3A_1 = memref.load %arg1[%get3A, %get3A_0] : memref<3x128xi32, #tpu.memory_space<smem>>
    %eq3A = arith.constant 1 : i32
    %eq3A_2 = arith.cmpi eq, %get3A_1, %eq3A : i32
    %convert_element_type3A = arith.extui %eq3A_2 : i1 to i32
    %cond3A = arith.constant 0 : i32
    %cond3A_3 = arith.cmpi ne, %convert_element_type3A, %cond3A : i32
    scf.if %cond3A_3 {
      %get3A_4 = arith.constant 0 : index
      %get3A_5 = arith.constant 0 : index
      %get3A_6 = vector.load %arg2[%get3A_4, %get3A_5] : memref<64x1024xf32, #tpu.memory_space<vmem>>, vector<64x1024xf32>
      %get3A_7 = arith.constant 0 : index
      %get3A_8 = arith.constant 0 : index
      %get3A_9 = arith.constant 0 : index
      %get3A_10 = vector.load %arg3[%get3A_7, %get3A_8, %get3A_9] : memref<1x256x1024xf32, #tpu.memory_space<vmem>>, vector<1x256x1024xf32>
      %get3A_11 = vector.shape_cast %get3A_10 : vector<1x256x1024xf32> to vector<256x1024xf32>
      %dot_general3A = arith.constant dense<0.000000e+00> : vector<64x256xf32>
      %dot_general3A_12 = tpu.matmul %get3A_6, %get3A_11, %dot_general3A {dimension_numbers = #tpu.dot_dimension_numbers<[1], [1], [0], [0], [0, 0, 1, 0], [], []>, transpose_lhs_hint = false} : vector<64x1024xf32>, vector<256x1024xf32>, vector<64x256xf32> -> vector<64x256xf32>
      %get3A_13 = arith.constant 0 : index
      %get3A_14 = arith.constant 0 : index
      %get3A_15 = arith.constant 0 : index
      %get3A_16 = vector.load %arg4[%get3A_13, %get3A_14, %get3A_15] : memref<1x256x1024xf32, #tpu.memory_space<vmem>>, vector<1x256x1024xf32>
      %get3A_17 = vector.shape_cast %get3A_16 : vector<1x256x1024xf32> to vector<256x1024xf32>
      %dot_general3A_18 = arith.constant dense<0.000000e+00> : vector<64x256xf32>
      %dot_general3A_19 = tpu.matmul %get3A_6, %get3A_17, %dot_general3A_18 {dimension_numbers = #tpu.dot_dimension_numbers<[1], [1], [0], [0], [0, 0, 1, 0], [], []>, transpose_lhs_hint = false} : vector<64x1024xf32>, vector<256x1024xf32>, vector<64x256xf32> -> vector<64x256xf32>
      %logistic3A = arith.negf %dot_general3A_12 : vector<64x256xf32>
      %logistic3A_20 = math.exp %logistic3A : vector<64x256xf32>
      %logistic3A_21 = arith.constant 1.000000e+00 : f32
      %logistic3A_22 = vector.broadcast %logistic3A_21 : f32 to vector<64x256xf32>
      %logistic3A_23 = arith.addf %logistic3A_22, %logistic3A_20 : vector<64x256xf32>
      %logistic3A_24 = arith.divf %logistic3A_22, %logistic3A_23 : vector<64x256xf32>
      %mul3A = arith.mulf %dot_general3A_12, %logistic3A_24 : vector<64x256xf32>
      %mul3A_25 = arith.mulf %mul3A, %dot_general3A_19 : vector<64x256xf32>
      %get3A_26 = arith.constant 0 : index
      %get3A_27 = arith.constant 0 : index
      %get3A_28 = arith.constant 0 : index
      %get3A_29 = vector.load %arg5[%get3A_26, %get3A_27, %get3A_28] : memref<1x1024x256xf32, #tpu.memory_space<vmem>>, vector<1x1024x256xf32>
      %get3A_30 = vector.shape_cast %get3A_29 : vector<1x1024x256xf32> to vector<1024x256xf32>
      %dot_general3A_31 = arith.constant dense<0.000000e+00> : vector<64x1024xf32>
      %dot_general3A_32 = tpu.matmul %mul3A_25, %get3A_30, %dot_general3A_31 {dimension_numbers = #tpu.dot_dimension_numbers<[1], [1], [0], [0], [0, 0, 1, 0], [], []>, transpose_lhs_hint = false} : vector<64x256xf32>, vector<1024x256xf32>, vector<64x1024xf32> -> vector<64x1024xf32>
      %swap3A = arith.constant 0 : index
      %swap3A_33 = arith.constant 0 : index
      %swap3A_34 = vector.load %arg6[%swap3A, %swap3A_33] : memref<64x1024xf32, #tpu.memory_space<vmem>>, vector<64x1024xf32>
      tpu.vector_store %arg6[%swap3A, %swap3A_33], %dot_general3A_32 {strides = array<i32>} : memref<64x1024xf32, #tpu.memory_space<vmem>>, vector<64x1024xf32>,
    } else {
    }
    return
  }
  func.func @transform_0(%arg0: i32, %arg1: memref<3x128xi32, #tpu.memory_space<smem>>) -> (i32, i32) {
    %get3A = arith.constant 2 : index
    %get3A_0 = arith.index_cast %arg0 : i32 to index
    %get3A_1 = memref.load %arg1[%get3A, %get3A_0] : memref<3x128xi32, #tpu.memory_space<smem>>
    %c0_i32 = arith.constant 0 : i32
    %c0_i32_2 = arith.constant 0 : i32
    return %get3A_1, %c0_i32 : i32, i32
  }
  func.func @transform_1(%arg0: i32, %arg1: memref<3x128xi32, #tpu.memory_space<smem>>) -> (i32, i32, i32) {
    %get3A = arith.constant 0 : index
    %get3A_0 = arith.index_cast %arg0 : i32 to index
    %get3A_1 = memref.load %arg1[%get3A, %get3A_0] : memref<3x128xi32, #tpu.memory_space<smem>>
    %c0_i32 = arith.constant 0 : i32
    %c0_i32_2 = arith.constant 0 : i32
    %c0_i32_3 = arith.constant 0 : i32
    return %get3A_1, %c0_i32, %c0_i32_2 : i32, i32, i32
  }
  func.func @transform_2(%arg0: i32, %arg1: memref<3x128xi32, #tpu.memory_space<smem>>) -> (i32, i32, i32) {
    %get3A = arith.constant 0 : index
    %get3A_0 = arith.index_cast %arg0 : i32 to index
    %get3A_1 = memref.load %arg1[%get3A, %get3A_0] : memref<3x128xi32, #tpu.memory_space<smem>>
    %c0_i32 = arith.constant 0 : i32
    %c0_i32_2 = arith.constant 0 : i32
    %c0_i32_3 = arith.constant 0 : i32
    return %get3A_1, %c0_i32, %c0_i32_2 : i32, i32, i32
  }
  func.func @transform_3(%arg0: i32, %arg1: memref<3x128xi32, #tpu.memory_space<smem>>) -> (i32, i32, i32) {
    %get3A = arith.constant 0 : index
    %get3A_0 = arith.index_cast %arg0 : i32 to index
    %get3A_1 = memref.load %arg1[%get3A, %get3A_0] : memref<3x128xi32, #tpu.memory_space<smem>>
    %c0_i32 = arith.constant 0 : i32
    %c0_i32_2 = arith.constant 0 : i32
    %c0_i32_3 = arith.constant 0 : i32
    return %get3A_1, %c0_i32, %c0_i32_2 : i32, i32, i32
  }
  func.func @transform_4(%arg0: i32, %arg1: memref<3x128xi32, #tpu.memory_space<smem>>) -> (i32, i32) {
    %get3A = arith.constant 2 : index
    %get3A_0 = arith.index_cast %arg0 : i32 to index
    %get3A_1 = memref.load %arg1[%get3A, %get3A_0] : memref<3x128xi32, #tpu.memory_space<smem>>
    %c0_i32 = arith.constant 0 : i32
    %c0_i32_2 = arith.constant 0 : i32
    return %get3A_1, %c0_i32 : i32, i32
  }
}

module attributes {stable_mosaic.version = 14 : i64} {
  func.func @_combine_body(%arg0: i32, %arg1: memref<128x1024xf32, #tpu.memory_space<vmem>>, %arg2: memref<128x1024xf32, #tpu.memory_space<vmem>>, %arg3: memref<128x1024xf32, #tpu.memory_space<vmem>>, %arg4: memref<128x1xf32, #tpu.memory_space<vmem>>, %arg5: memref<128x1xf32, #tpu.memory_space<vmem>>, %arg6: memref<128x1xf32, #tpu.memory_space<vmem>>, %arg7: memref<128x1024xf32, #tpu.memory_space<vmem>>) attributes {dimension_semantics = [#tpu.dimension_semantics<arbitrary>], iteration_bounds = array<i64: 16>, scalar_prefetch = 0 : i64, scratch_operands = 0 : i64, tpu.core_type = #tpu.core_type<tc>, window_params = [{transform_indices = @transform_0, window_bounds = array<i64: 128, 1024>}, {transform_indices = @transform_1, window_bounds = array<i64: 128, 1024>}, {transform_indices = @transform_2, window_bounds = array<i64: 128, 1024>}, {transform_indices = @transform_3, window_bounds = array<i64: 128, 1>}, {transform_indices = @transform_4, window_bounds = array<i64: 128, 1>}, {transform_indices = @transform_5, window_bounds = array<i64: 128, 1>}, {transform_indices = @transform_6, window_bounds = array<i64: 128, 1024>}]} {
    %get3A = arith.constant 0 : index
    %get3A_0 = arith.constant 0 : index
    %get3A_1 = vector.load %arg4[%get3A, %get3A_0] : memref<128x1xf32, #tpu.memory_space<vmem>>, vector<128x1xf32>
    %get3A_2 = arith.constant 0 : index
    %get3A_3 = arith.constant 0 : index
    %get3A_4 = vector.load %arg1[%get3A_2, %get3A_3] : memref<128x1024xf32, #tpu.memory_space<vmem>>, vector<128x1024xf32>
    %mul3A = vector.broadcast %get3A_1 : vector<128x1xf32> to vector<128x1024xf32>
    %mul3A_5 = arith.mulf %mul3A, %get3A_4 : vector<128x1024xf32>
    %get3A_6 = arith.constant 0 : index
    %get3A_7 = arith.constant 0 : index
    %get3A_8 = vector.load %arg5[%get3A_6, %get3A_7] : memref<128x1xf32, #tpu.memory_space<vmem>>, vector<128x1xf32>
    %get3A_9 = arith.constant 0 : index
    %get3A_10 = arith.constant 0 : index
    %get3A_11 = vector.load %arg2[%get3A_9, %get3A_10] : memref<128x1024xf32, #tpu.memory_space<vmem>>, vector<128x1024xf32>
    %mul3A_12 = vector.broadcast %get3A_8 : vector<128x1xf32> to vector<128x1024xf32>
    %mul3A_13 = arith.mulf %mul3A_12, %get3A_11 : vector<128x1024xf32>
    %add3A = arith.addf %mul3A_5, %mul3A_13 : vector<128x1024xf32>
    %get3A_14 = arith.constant 0 : index
    %get3A_15 = arith.constant 0 : index
    %get3A_16 = vector.load %arg6[%get3A_14, %get3A_15] : memref<128x1xf32, #tpu.memory_space<vmem>>, vector<128x1xf32>
    %get3A_17 = arith.constant 0 : index
    %get3A_18 = arith.constant 0 : index
    %get3A_19 = vector.load %arg3[%get3A_17, %get3A_18] : memref<128x1024xf32, #tpu.memory_space<vmem>>, vector<128x1024xf32>
    %mul3A_20 = vector.broadcast %get3A_16 : vector<128x1xf32> to vector<128x1024xf32>
    %mul3A_21 = arith.mulf %mul3A_20, %get3A_19 : vector<128x1024xf32>
    %add3A_22 = arith.addf %add3A, %mul3A_21 : vector<128x1024xf32>
    %swap3A = arith.constant 0 : index
    %swap3A_23 = arith.constant 0 : index
    %swap3A_24 = vector.load %arg7[%swap3A, %swap3A_23] : memref<128x1024xf32, #tpu.memory_space<vmem>>, vector<128x1024xf32>
    tpu.vector_store %arg7[%swap3A, %swap3A_23], %add3A_22 {strides = array<i32>} : memref<128x1024xf32, #tpu.memory_space<vmem>>, vector<128x1024xf32>,
    return
  }
  func.func @transform_0(%arg0: i32) -> (i32, i32) {
    %c0_i32 = arith.constant 0 : i32
    %c0_i32_0 = arith.constant 0 : i32
    return %arg0, %c0_i32 : i32, i32
  }
  func.func @transform_1(%arg0: i32) -> (i32, i32) {
    %c0_i32 = arith.constant 0 : i32
    %c0_i32_0 = arith.constant 0 : i32
    return %arg0, %c0_i32 : i32, i32
  }
  func.func @transform_2(%arg0: i32) -> (i32, i32) {
    %c0_i32 = arith.constant 0 : i32
    %c0_i32_0 = arith.constant 0 : i32
    return %arg0, %c0_i32 : i32, i32
  }
  func.func @transform_3(%arg0: i32) -> (i32, i32) {
    %c0_i32 = arith.constant 0 : i32
    %c0_i32_0 = arith.constant 0 : i32
    return %arg0, %c0_i32 : i32, i32
  }
  func.func @transform_4(%arg0: i32) -> (i32, i32) {
    %c0_i32 = arith.constant 0 : i32
    %c0_i32_0 = arith.constant 0 : i32
    return %arg0, %c0_i32 : i32, i32
  }
  func.func @transform_5(%arg0: i32) -> (i32, i32) {
    %c0_i32 = arith.constant 0 : i32
    %c0_i32_0 = arith.constant 0 : i32
    return %arg0, %c0_i32 : i32, i32
  }
  func.func @transform_6(%arg0: i32) -> (i32, i32) {
    %c0_i32 = arith.constant 0 : i32
    %c0_i32_0 = arith.constant 0 : i32
    return %arg0, %c0_i32 : i32, i32
  }
}

</mosaic_0001>

<sc_bundles>
// kernel: kernel.10.cloned.1.call-start
scs
__scs_entry_jumppad:
0x0: {  	(pc) =	sbr.rel $0x88, $3  }
0x1: {  	(tag) =	ssettag $0x0;
	lr =	simm.s32 $0x1  }
0x2: {  	[smem:$0x3F9B] =	sst lr;
	_ =	strace $0xD0000000  }
0x3: {  	_ = 	snop  }
0x4: {  	_ = 	snop  }
0x5: {  	_ = 	snop  }
0x6: {  	_ = 	snop  }
0x7: {  	_ = 	snop  }
__scs_overlays_trampoline_lowered:
0x8: {  	[smem:$0x3FAA] =	sst s0  }
0x9: {  	[smem:$0x3FAB] =	sst s1  }
0xa: {  	[smem:$0x3FAC] =	sst s2  }
0xb: {  	[smem:$0x3FAD] =	sst s3  }
0xc: {  	[smem:$0x3FAE] =	sst s4  }
0xd: {  	[smem:$0x3FAF] =	sst s5  }
0xe: {  	[smem:$0x3FB0] =	sst s6  }
0xf: {  	[smem:$0x3FB1] =	sst s7  }
0x10: {  	[smem:$0x3FB2] =	sst s8  }
0x11: {  	[smem:$0x3FB3] =	sst s9;
	s0 =	simm.s32 @!p0 $0x0  }
0x12: {  	s1 =	sld [smem:$0x3F99];
	s0 =	simm.s32 @p0 $0x1  }
0x13: {  	[smem:$0x3FB4] =	sst s0;
	s0 =	simm.s32 @!p1 $0x0  }
0x14: {  	s2 =	sld [smem:$0x3F98];
	s0 =	simm.s32 @p1 $0x1  }
0x15: {  	[smem:$0x3FB5] =	sst s0;
	s0 =	simm.s32 @!p2 $0x0  }
0x16: {  	s3 =	sld [smem:$0x3FDB];
	s0 =	simm.s32 @p2 $0x1  }
0x17: {  	s4 =	simm.s32 $0x1BF5;
	[smem:$0x3FB7] =	sst s0  }
0x18: {  	s0 =	sld [smem:$0x3F9A];
	_ =	swait.ge [sflag:s4], $0x0  }
0x19: {  	s7 =	sld [smem:$0x3F9B]  }
0x1a: {  	s8 =	sadd.s32 $0xFFFFE003, lr  }
0x1b: {  	s9 =	sadd.s32 $0xFFFFFEF7, lr;
	s5 =	simm.s32 $0xFFFFFFFF;
	p2 =	slt.u32 s8, $0xFFFFF086  }
0x1c: {  	p1 =	slt.u32 s9, $0xF7A;
	s5 =	simm.s32 @!p2 $0x0  }
0x1d: {  	s5 =	simm.s32 @p1 $0x1;
	p0 =	seq.s32 s7, s2  }
0x1e: {  	s7 =	smul.u32 @!p0 $0xF7A, s2;
	p2 =	seq.s32 @!p0 s5, $0x0  }
0x1f: {  	s9 =	smul.u32 $0xF7A, s1;
	s8 =	simm.s32 @!p0 $0x1BF5;
	p2 =	por !p2, p0  }
0x20: {  	[sflag:s8] =	ssyncset.s32 @!p0 $0xFFFFF086;
	s6 =	sadd.s32 @!p0 s3, s7;
	s7 =	simm.s32 @!p0 $0x108  }
0x21: {  	s3 =	sadd.s32 s3, s9;
	s6 =	sadd.s32 @!p0 $0x88, s6;
	s7 =	simm.s32 @p2 $0x1082  }
0x22: {  	[simem:s7], [sflag:s8] =	dma.local @!p0 [hbm:s6], $0xF7A  }
0x23: {  	s9 =	sor.u32 $0xD0000000, s2;
	s6 =	simm.s32 $0x108;
	_ =	swait.ge @!p0 [sflag:s8], $0x0  }
0x24: {  	s3 =	sadd.s32 $0x88, s3;
	s6 =	simm.s32 @!p1 $0x1082;
	[sflag:s4] =	ssyncset.s32 $0xFFFFF086  }
0x25: {  	[simem:s6], [sflag:s4] =	dma.local [hbm:s3], $0xF7A  }
0x26: {  	[smem:$0x3F9B] =	sst s1;
	(tag) =	ssettag s2;
	_ =	strace s9  }
0x27: {  	s1 =	sld [smem:$0x3FAB]  }
0x28: {  	s2 =	sld [smem:$0x3FAC]  }
0x29: {  	s4 =	sld [smem:$0x3FAE]  }
0x2a: {  	p0 =	seq.s32 s5, $0x0;
	s5 =	sld [smem:$0x3FAF]  }
0x2b: {  	s6 =	sld [smem:$0x3FB0]  }
0x2c: {  	s7 =	sld [smem:$0x3FB1]  }
0x2d: {  	s3 =	simm.s32 $0x108;
	s8 =	sld [smem:$0x3FB2]  }
0x2e: {  	s3 =	simm.s32 @!p0 $0x1082;
	s9 =	sld [smem:$0x3FB3]  }
0x2f: {  	lr =	sadd.s32 s0, s3;
	s0 =	sld [smem:$0x3FAA]  }
0x30: {  	s3 =	sld [smem:$0x3FAD]  }
0x31: {  	[smem:$0x3FB6] =	sst s10  }
0x32: {  	s10 =	sld [smem:$0x3FB4];
	_ =	sdelay $0x3  }
0x33: {  	p0 =	seq.s32 s10, $0x1;
	s10 =	sld [smem:$0x3FB6];
	_ =	sdelay $0x3  }
0x34: {  	[smem:$0x3FB6] =	sst s10  }
0x35: {  	s10 =	sld [smem:$0x3FB5];
	_ =	sdelay $0x3  }
0x36: {  	p1 =	seq.s32 s10, $0x1;
	s10 =	sld [smem:$0x3FB6];
	_ =	sdelay $0x3  }
0x37: {  	[smem:$0x3FB6] =	sst s10  }
0x38: {  	s10 =	sld [smem:$0x3FB7]  }
0x39: {  	_ = 	snop;
	(pc) =	sbr.ind lr, $3  }
0x3a: {  	_ = 	snop  }
0x3b: {  	_ = 	snop  }
0x3c: {  	p2 =	seq.s32 s10, $0x1;
	s10 =	sld [smem:$0x3FB6]  }
0x3d: {  	_ =	shalt  }
0x3e: {  	_ =	shalt  }
0x3f: {  	_ =	shalt  }
0x40: {  	_ =	shalt  }
0x41: {  	_ =	shalt  }
0x42: {  	_ =	shalt  }
0x43: {  	_ =	shalt  }
0x44: {  	_ =	shalt  }
0x45: {  	_ =	shalt  }
0x46: {  	_ =	shalt  }
0x47: {  	_ =	shalt  }
0x48: {  	_ =	shalt  }
0x49: {  	_ =	shalt  }
0x4a: {  	_ =	shalt  }
0x4b: {  	_ =	shalt  }
0x4c: {  	_ =	shalt  }
0x4d: {  	_ =	shalt  }
0x4e: {  	_ =	shalt  }
0x4f: {  	_ =	shalt  }
0x50: {  	_ =	shalt  }
0x51: {  	_ =	shalt  }
0x52: {  	_ =	shalt  }
0x53: {  	_ =	shalt  }
0x54: {  	_ =	shalt  }
0x55: {  	_ =	shalt  }
0x56: {  	_ =	shalt  }
0x57: {  	_ =	shalt  }
0x58: {  	_ =	shalt  }
0x59: {  	_ =	shalt  }
0x5a: {  	_ =	shalt  }
0x5b: {  	_ =	shalt  }
0x5c: {  	_ =	shalt  }
0x5d: {  	_ =	shalt  }
0x5e: {  	_ =	shalt  }
0x5f: {  	_ =	shalt  }
0x60: {  	_ =	shalt  }
0x61: {  	_ =	shalt  }
0x62: {  	_ =	shalt  }
0x63: {  	_ =	shalt  }
0x64: {  	_ =	shalt  }
0x65: {  	_ =	shalt  }
0x66: {  	_ =	shalt  }
0x67: {  	_ =	shalt  }
0x68: {  	_ =	shalt  }
0x69: {  	_ =	shalt  }
0x6a: {  	_ =	shalt  }
0x6b: {  	_ =	shalt  }
0x6c: {  	_ =	shalt  }
0x6d: {  	_ =	shalt  }
0x6e: {  	_ =	shalt  }
0x6f: {  	_ =	shalt  }
0x70: {  	_ =	shalt  }
0x71: {  	_ =	shalt  }
0x72: {  	_ =	shalt  }
0x73: {  	_ =	shalt  }
0x74: {  	_ =	shalt  }
0x75: {  	_ =	shalt  }
0x76: {  	_ =	shalt  }
0x77: {  	_ =	shalt  }
0x78: {  	_ =	shalt  }
0x79: {  	_ =	shalt  }
0x7a: {  	_ =	shalt  }
0x7b: {  	_ =	shalt  }
0x7c: {  	_ =	shalt  }
0x7d: {  	_ =	shalt  }
0x7e: {  	_ =	shalt  }
0x7f: {  	_ =	shalt  }
0x80: {  	_ =	shalt  }
0x81: {  	_ =	shalt  }
0x82: {  	_ =	shalt  }
0x83: {  	_ =	shalt  }
0x84: {  	_ =	shalt  }
0x85: {  	_ =	shalt  }
0x86: {  	_ =	shalt  }
0x87: {  	_ =	shalt  }
.Lfunc_end0:
.L_simem_size_0:
called_computation.1_lowered:
.L_overlay_start_0:
0x88: {  	s2 =	sld [smem:$0x3FD9]  }
0x89: {  	s3 =	sld [smem:$0x3FFE];
	_ =	sdelay $0x1  }
0x8a: {  	s1 =	srdreg.scid  }
0x8b: {  	s0 =	sand.u32 $0x1, s1  }
0x8c: {  	s17 =	sshll.u32 s0, $0xA;
	s2 =	sadd.s32 s3, s2  }
0x8d: {  	s2 =	sadd.s32 s2, s17  }
0x8e: {  	[smem:$0x3FC2] =	sst s2  }
0x8f: {  	_ = 	snop  }
0x90: {  	s2 =	sld [smem:$0x3FD0];
	(tm) =	ssettm $0x1  }
0x91: {  	s18 =	sld [smem:$0x3FFB];
	_ =	sdelay $0x3  }
0x92: {  	_ =	strace s18  }
0x93: {  	s3 =	sld [smem:$0x3FFC];
	_ =	sdelay $0x3  }
0x94: {  	_ =	strace s3  }
0x95: {  	s3 =	sld [smem:$0x3FFD];
	_ =	sdelay $0x3  }
0x96: {  	_ =	strace s3  }
0x97: {  	_ =	strace $0x8FFFFFFF  }
0x98: {  	s19 =	sld [smem:$0x3FDB];
	_ =	sdelay $0x1  }
0x99: {  	s4 =	simm.s32 $_scs_section_size  }
0x9a: {  	s5 =	simm.s32 $_size__tile_overlayer_lowered;
	s6 =	simm.s32 $_tile_overlayer_lowered  }
0x9b: {  	s22 =	simm.s32 $0x1BFF;
	s21 =	sshll.u32 s6, $0x1;
	s3 =	sadd.s32 s4, s19  }
0x9c: {  	s7 =	simm.s32 $0x0;
	s20 =	sshll.u32 s5, $0x1;
	s5 =	sadd.s32 s21, s3  }
0x9d: {  	[timem:s7], [sflag:s22] =	dma.local [hbm:s5], s20  }
0x9e: {  	_ =	swait.ge [sflag:s22], s20  }
0x9f: {  	s4 =	ssub.s32 $0x0, s20;
	[sflag:s22] =	ssyncset.done $0x0  }
0xa0: {  	[sflag:s22] =	ssyncadd.s32 s4;
	_ =	sdelay $0x1  }
0xa1: {  	s23 =	simm.s32 $0x1B8B  }
0xa2: {  	_ =	swait.ge [sflag:s23], $0x1  }
0xa3: {  	[sflag:s23] =	ssyncset.done $0x0  }
0xa4: {  	s25 =	simm.s32 $0x1B8E;
	s24 =	sld [smem:$0x3FFE];
	[sflag:s23] =	ssyncadd.s32 $0xFFFFFFFF  }
0xa5: {  	s26 =	simm.s32 $execute0_lowered;
	[smem:$0x3FD2] =	sst s25  }
0xa6: {  	s5 =	sshll.u32 s26, $0x1;
	_ =	strace $0x80000049;
	[dreg:$0x1] =	wrdreg $0xFFFFFFFF  }
0xa7: {  	s28 =	simm.s32 $_size_execute0_lowered;
	s3 =	sadd.s32 s3, s5;
	[dreg:$0x0] =	wrdreg $0x0  }
0xa8: {  	s5 =	sshll.u32 s28, $0x1;
	[dreg:$0x2] =	wrdreg s3  }
0xa9: {  	[dreg:$0x3] =	wrdreg s5  }
0xaa: {  	[dreg:$0x4] =	wrdreg $0xC0  }
0xab: {  	_ =	task [dreg:s7], $0x5FFFF  }
0xac: {  	[dreg:$0x1] =	wrdreg $0xFFFFFFFF  }
0xad: {  	[dreg:$0x0] =	wrdreg $0x60  }
0xae: {  	[dreg:$0x2] =	wrdreg s24  }
0xaf: {  	[dreg:$0x3] =	wrdreg s2  }
0xb0: {  	[dreg:$0x4] =	wrdreg $0x9  }
0xb1: {  	_ =	task.clear_ibuf [dreg:s7], $0x5FFFF;
	_ =	strace $0x90000049  }
0xb2: {  	s29 =	simm.s32 $0x9;
	_ =	strace $0x8000004B  }
0xb3: {  	_ =	swait.ge [sflag:s29], $0x1  }
0xb4: {  	[sflag:s29] =	ssyncadd.s32 $0xFFFFFFFF  }
0xb5: {  	_ =	strace $0x9000004B  }
0xb6: {  	_ =	sfence  }
0xb7: {  	s30 =	sld [smem:$0x0];
	_ =	sdelay $0x2  }
0xb8: {  	s31 =	sshll.u32 s1, $0xD;
	s1 =	sshrl.u32 s1, $0x2  }
0xb9: {  	s3 =	sand.u32 $0x4000, s31;
	s1 =	sadd.s32 s1, s30  }
0xba: {  	s0 =	sor.u32 s3, s0;
	s1 =	sshll.u32 s1, $0x11  }
0xbb: {  	s0 =	sor.u32 s1, s0  }
0xbc: {  	s0 =	sadd.s32 $0x8F2B, s0  }
0xbd: {  	[sflag:s0] =	ssyncadd.remote.s32 $0x1  }
0xbe: {  	_ =	sfence.sel $0xFFFF  }
0xbf: {  	[dreg:$0x0] =	wrdreg $0xFFFFFFFF;
	(pc) =	sbr.abs _section_cstart, $3  }
0xc0: {  	[dreg:$0x1] =	wrdreg $0xFFFFFFFF  }
0xc1: {  	_ =	task.clear_ibuf [dreg:s7], $0x2FFFF;
	_ =	strace $0x9FFFFFFF  }
0xc2: {  	(tm) =	ssettm $0x7FFFFFFF  }
0xc3: {  	_ =	shalt  }
tec
execute0_lowered:
.L_overlay_start_1:
0x0: {  	(tag) =	ssettag $0x1  }
0x1: {  	s0 =	rddreg [dreg:$0x0]  }
0x2: {  	s1 =	rddreg [dreg:$0x1]  }
0x3: {  	s2 =	simm.s32 $0x0;
	s3 =	srdreg.scid;
	s5 =	stileid.u32  }
0x4: {  	s18 =	simm.s32 $0x1;
	s20 =	simm.s32 $0x880;
	s21 =	simm.s32 $0x1080  }
0x5: {  	s22 =	simm.s32 $0x1880;
	s28 =	simm.s32 $0x4080;
	s29 =	simm.s32 $0x4880  }
0x6: {  	s30 =	simm.s32 $0x5080;
	s31 =	simm.s32 $0x5880;
	s10 =	simm.s32 $0x7080  }
0x7: {  	s11 =	simm.s32 $0x7880;
	s12 =	simm.s32 $0x8080;
	s13 =	simm.s32 $0x8880  }
0x8: {  	s14 =	simm.s32 $0x9080;
	s15 =	simm.s32 $0x9880;
	s16 =	simm.s32 $0xA080  }
0x9: {  	s17 =	simm.s32 $0xA880;
	s9 =	simm.s32 $0xB080;
	[smem:$0x7FF] =	sst s2  }
0xa: {  	s4 =	sand.u32 $0x1, s3;
	s23 =	sshll.u32 s5, $0x1;
	s3 =	sadd.s32 $0x101200, s0  }
0xb: {  	_ =	strace $0x8000004A;
	s5 =	sor.u32 s4, s23;
	s4 =	ssub.s32 $0x2, s4  }
0xc: {  	s23 =	simm.s32 $0x2080;
	s6 =	sshll.u32 s5, $0x4;
	s5 =	sshll.u32 s5, $0xD  }
0xd: {  	s7 =	sshrl.u32 s4, $0x1;
	s6 =	sadd.s32 s6, s0;
	s8 =	sadd.s32 s5, s0  }
0xe: {  	s7 =	ssub.s32 s4, s7;
	s4 =	sadd.s32 $0x101300, s0;
	s1 =	sadd.s32 s1, s5  }
0xf: {  	s5 =	sadd.s32 $0x101400, s0;
	s24 =	sadd.s32 $0x1000, s6;
	[dreg:$0x4] =	wrdreg s1  }
0x10: {  	s25 =	sadd.s32 $0xE00, s6;
	s6 =	sadd.s32 $0x101500, s0;
	[dreg:$0x3] =	wrdreg s24  }
0x11: {  	v2 =	vlaneseq.u32;
	s26 =	sadd.s32 $0x1200, s8;
	s7 =	smax.u32 s7, $0x1;
	[dreg:$0x5] =	wrdreg s25  }
0x12: {  	vm0 =	vmmov $0xffff;
	v1 =	vshrl.u32 v2, $0x3;
	s8 =	simm.s32 $0x2;
	s0 =	simm.s32 $0x80;
	[dreg:$0x6] =	wrdreg s26  }
0x13: {  	v0 =	vand.u32 $0x7, v2;
	v2 =	vor.u32 $0x8, v2;
	v1 =	vmul.u32 $0x8, v1;
	s24 =	simm.s32 $0x2880;
	s25 =	simm.s32 $0x3080;
	s26 =	simm.s32 $0x3880  }
.LBB2_1:
0x14: {  	s19 =	rddreg [dreg:$0x3]  }
0x15: {  	[tilespmem:s2], [sflag:$0x2] =	stream.linear.gather [hbm4b:s19+s2], $0x80, $0x38;
	[tilespmem:$0x10080] =	vst v63  }
0x16: {  	_ =	swait.ge [sflag:s8], $0x80  }
0x17: {  	[sflag:s8] =	ssyncset.done $0x0  }
0x18: {  	[sflag:s8] =	ssyncadd.s32 $0xFFFFFF80  }
0x19: {  	v3 =	vld [tilespmem:$0x0];
	_ =	sdelay $0x4  }
0x1a: {  	v4 =	vshll.u32 v3, $0x3  }
0x1b: {  	v3 =	vand.u32 $0x7, v3;
	v4 =	vand.u32 $0xFFFFFFC0, v4  }
0x1c: {  	v3 =	vor.u32 v3, v4  }
0x1d: {  	v4 =	vperm.xlane v3, v0;
	_ =	sdelay $0x1  }
0x1e: {  	v4 =	vadd.s32 v1, v4;
	_ =	sdelay $0x4  }
0x1f: {  	[tilespmem:s0], [sflag:$0x1] =	stream.indirect_vreg.gather [hbm4b:s3+s2], $0x80, v4, vm0, $0xb8;
	[tilespmem:$0x10080] =	vst v63  }
0x20: {  	v3 =	vperm.xlane v3, v2  }
0x21: {  	[tilespmem:s20], [sflag:$0x1] =	stream.indirect_vreg.gather [hbm4b:s4+s2], $0x80, v4, vm0, $0xb8;
	[tilespmem:$0x10080] =	vst v63  }
0x22: {  	v3 =	vadd.s32 v1, v3  }
0x23: {  	[tilespmem:s21], [sflag:$0x1] =	stream.indirect_vreg.gather [hbm4b:s5+s2], $0x80, v4, vm0, $0xb8;
	[tilespmem:$0x10080] =	vst v63  }
0x24: {  	_ = 	snop  }
0x25: {  	[tilespmem:s22], [sflag:$0x1] =	stream.indirect_vreg.gather [hbm4b:s6+s2], $0x80, v4, vm0, $0xb8;
	[tilespmem:$0x10080] =	vst v63  }
0x26: {  	_ = 	snop  }
0x27: {  	[tilespmem:s23], [sflag:$0x1] =	stream.indirect_vreg.gather [hbm4b:s3+s2], $0x80, v3, vm0, $0xb8;
	[tilespmem:$0x10080] =	vst v63  }
0x28: {  	_ = 	snop  }
0x29: {  	[tilespmem:s24], [sflag:$0x1] =	stream.indirect_vreg.gather [hbm4b:s4+s2], $0x80, v3, vm0, $0xb8;
	[tilespmem:$0x10080] =	vst v63  }
0x2a: {  	_ = 	snop  }
0x2b: {  	[tilespmem:s25], [sflag:$0x1] =	stream.indirect_vreg.gather [hbm4b:s5+s2], $0x80, v3, vm0, $0xb8;
	[tilespmem:$0x10080] =	vst v63  }
0x2c: {  	_ = 	snop  }
0x2d: {  	[tilespmem:s26], [sflag:$0x1] =	stream.indirect_vreg.gather [hbm4b:s6+s2], $0x80, v3, vm0, $0xb8;
	[tilespmem:$0x10080] =	vst v63  }
0x2e: {  	v3 =	vld [tilespmem:$0x10];
	_ =	sdelay $0x4  }
0x2f: {  	v57 =	vshll.u32 v3, $0x3  }
0x30: {  	v3 =	vand.u32 $0x7, v3;
	v4 =	vand.u32 $0xFFFFFFC0, v57  }
0x31: {  	v3 =	vor.u32 v3, v4  }
0x32: {  	v4 =	vperm.xlane v3, v0;
	_ =	sdelay $0x1  }
0x33: {  	v4 =	vadd.s32 v1, v4;
	_ =	sdelay $0x4  }
0x34: {  	[tilespmem:s28], [sflag:$0x1] =	stream.indirect_vreg.gather [hbm4b:s3+s2], $0x80, v4, vm0, $0xb8;
	[tilespmem:$0x10080] =	vst v63  }
0x35: {  	v3 =	vperm.xlane v3, v2  }
0x36: {  	[tilespmem:s29], [sflag:$0x1] =	stream.indirect_vreg.gather [hbm4b:s4+s2], $0x80, v4, vm0, $0xb8;
	[tilespmem:$0x10080] =	vst v63  }
0x37: {  	v3 =	vadd.s32 v1, v3  }
0x38: {  	[tilespmem:s30], [sflag:$0x1] =	stream.indirect_vreg.gather [hbm4b:s5+s2], $0x80, v4, vm0, $0xb8;
	[tilespmem:$0x10080] =	vst v63  }
0x39: {  	_ = 	snop  }
0x3a: {  	[tilespmem:s31], [sflag:$0x1] =	stream.indirect_vreg.gather [hbm4b:s6+s2], $0x80, v4, vm0, $0xb8;
	[tilespmem:$0x10080] =	vst v63  }
0x3b: {  	s1 =	simm.s32 $0x6080  }
0x3c: {  	[tilespmem:s1], [sflag:$0x1] =	stream.indirect_vreg.gather [hbm4b:s3+s2], $0x80, v3, vm0, $0xb8;
	[tilespmem:$0x10080] =	vst v63  }
0x3d: {  	s1 =	simm.s32 $0x6880  }
0x3e: {  	[tilespmem:s1], [sflag:$0x1] =	stream.indirect_vreg.gather [hbm4b:s4+s2], $0x80, v3, vm0, $0xb8;
	[tilespmem:$0x10080] =	vst v63  }
0x3f: {  	_ = 	snop  }
0x40: {  	[tilespmem:s10], [sflag:$0x1] =	stream.indirect_vreg.gather [hbm4b:s5+s2], $0x80, v3, vm0, $0xb8;
	[tilespmem:$0x10080] =	vst v63  }
0x41: {  	_ = 	snop  }
0x42: {  	[tilespmem:s11], [sflag:$0x1] =	stream.indirect_vreg.gather [hbm4b:s6+s2], $0x80, v3, vm0, $0xb8;
	[tilespmem:$0x10080] =	vst v63  }
0x43: {  	v3 =	vld [tilespmem:$0x20];
	_ =	sdelay $0x4  }
0x44: {  	v58 =	vshll.u32 v3, $0x3  }
0x45: {  	v3 =	vand.u32 $0x7, v3;
	v4 =	vand.u32 $0xFFFFFFC0, v58  }
0x46: {  	v3 =	vor.u32 v3, v4  }
0x47: {  	v4 =	vperm.xlane v3, v0;
	_ =	sdelay $0x1  }
0x48: {  	v4 =	vadd.s32 v1, v4;
	_ =	sdelay $0x4  }
0x49: {  	[tilespmem:s12], [sflag:$0x1] =	stream.indirect_vreg.gather [hbm4b:s3+s2], $0x80, v4, vm0, $0xb8;
	[tilespmem:$0x10080] =	vst v63  }
0x4a: {  	v3 =	vperm.xlane v3, v2  }
0x4b: {  	[tilespmem:s13], [sflag:$0x1] =	stream.indirect_vreg.gather [hbm4b:s4+s2], $0x80, v4, vm0, $0xb8;
	[tilespmem:$0x10080] =	vst v63  }
0x4c: {  	v3 =	vadd.s32 v1, v3  }
0x4d: {  	[tilespmem:s14], [sflag:$0x1] =	stream.indirect_vreg.gather [hbm4b:s5+s2], $0x80, v4, vm0, $0xb8;
	[tilespmem:$0x10080] =	vst v63  }
0x4e: {  	_ = 	snop  }
0x4f: {  	[tilespmem:s15], [sflag:$0x1] =	stream.indirect_vreg.gather [hbm4b:s6+s2], $0x80, v4, vm0, $0xb8;
	[tilespmem:$0x10080] =	vst v63  }
0x50: {  	_ = 	snop  }
0x51: {  	[tilespmem:s16], [sflag:$0x1] =	stream.indirect_vreg.gather [hbm4b:s3+s2], $0x80, v3, vm0, $0xb8;
	[tilespmem:$0x10080] =	vst v63  }
0x52: {  	_ = 	snop  }
0x53: {  	[tilespmem:s17], [sflag:$0x1] =	stream.indirect_vreg.gather [hbm4b:s4+s2], $0x80, v3, vm0, $0xb8;
	[tilespmem:$0x10080] =	vst v63  }
0x54: {  	_ = 	snop  }
0x55: {  	[tilespmem:s9], [sflag:$0x1] =	stream.indirect_vreg.gather [hbm4b:s5+s2], $0x80, v3, vm0, $0xb8;
	[tilespmem:$0x10080] =	vst v63  }
0x56: {  	s19 =	simm.s32 $0xB880  }
0x57: {  	[tilespmem:s19], [sflag:$0x1] =	stream.indirect_vreg.gather [hbm4b:s6+s2], $0x80, v3, vm0, $0xb8;
	[tilespmem:$0x10080] =	vst v63  }
0x58: {  	v3 =	vld [tilespmem:$0x30];
	_ =	sdelay $0x4  }
0x59: {  	v59 =	vshll.u32 v3, $0x3  }
0x5a: {  	v3 =	vand.u32 $0x7, v3;
	v4 =	vand.u32 $0xFFFFFFC0, v59  }
0x5b: {  	v3 =	vor.u32 v3, v4  }
0x5c: {  	v4 =	vperm.xlane v3, v0;
	_ =	sdelay $0x1  }
0x5d: {  	v4 =	vadd.s32 v1, v4;
	_ =	sdelay $0x3  }
0x5e: {  	s19 =	simm.s32 $0xC080  }
0x5f: {  	[tilespmem:s19], [sflag:$0x1] =	stream.indirect_vreg.gather [hbm4b:s3+s2], $0x80, v4, vm0, $0xb8;
	[tilespmem:$0x10080] =	vst v63  }
0x60: {  	v3 =	vperm.xlane v3, v2;
	s19 =	simm.s32 $0xC880  }
0x61: {  	[tilespmem:s19], [sflag:$0x1] =	stream.indirect_vreg.gather [hbm4b:s4+s2], $0x80, v4, vm0, $0xb8;
	[tilespmem:$0x10080] =	vst v63  }
0x62: {  	v3 =	vadd.s32 v1, v3;
	s19 =	simm.s32 $0xD080  }
0x63: {  	[tilespmem:s19], [sflag:$0x1] =	stream.indirect_vreg.gather [hbm4b:s5+s2], $0x80, v4, vm0, $0xb8;
	[tilespmem:$0x10080] =	vst v63  }
0x64: {  	s19 =	simm.s32 $0xD880  }
0x65: {  	[tilespmem:s19], [sflag:$0x1] =	stream.indirect_vreg.gather [hbm4b:s6+s2], $0x80, v4, vm0, $0xb8;
	[tilespmem:$0x10080] =	vst v63  }
0x66: {  	s19 =	simm.s32 $0xE080  }
0x67: {  	[tilespmem:s19], [sflag:$0x1] =	stream.indirect_vreg.gather [hbm4b:s3+s2], $0x80, v3, vm0, $0xb8;
	[tilespmem:$0x10080] =	vst v63  }
0x68: {  	s19 =	simm.s32 $0xE880  }
0x69: {  	[tilespmem:s19], [sflag:$0x1] =	stream.indirect_vreg.gather [hbm4b:s4+s2], $0x80, v3, vm0, $0xb8;
	[tilespmem:$0x10080] =	vst v63  }
0x6a: {  	s19 =	simm.s32 $0xF080  }
0x6b: {  	[tilespmem:s19], [sflag:$0x1] =	stream.indirect_vreg.gather [hbm4b:s5+s2], $0x80, v3, vm0, $0xb8;
	[tilespmem:$0x10080] =	vst v63  }
0x6c: {  	s19 =	simm.s32 $0xF880  }
0x6d: {  	[tilespmem:s19], [sflag:$0x1] =	stream.indirect_vreg.gather [hbm4b:s6+s2], $0x80, v3, vm0, $0xb8;
	[tilespmem:$0x10080] =	vst v63  }
0x6e: {  	_ =	swait.ge [sflag:s18], $0x10000  }
0x6f: {  	[sflag:s18] =	ssyncset.done $0x0  }
0x70: {  	s19 =	rddreg [dreg:$0x4];
	[sflag:s18] =	ssyncadd.s32 $0xFFFF0000  }
0x71: {  	[hbm4b:s19+s2] =	stream.linear.scatter [tilespmem:s0], [sflag:$0x2], $0x10000, $0x38;
	[tilespmem:$0x10080] =	vst v63  }
0x72: {  	_ =	swait.ge [sflag:s8], $0x10000  }
0x73: {  	[sflag:s8] =	ssyncset.done $0x0  }
0x74: {  	s19 =	rddreg [dreg:$0x5];
	[sflag:s8] =	ssyncadd.s32 $0xFFFF0000  }
0x75: {  	[tilespmem:s2], [sflag:$0x2] =	stream.linear.gather [hbm4b:s19+s2], $0x80, $0x38;
	[tilespmem:$0x10080] =	vst v63  }
0x76: {  	_ =	swait.ge [sflag:s8], $0x80  }
0x77: {  	[sflag:s8] =	ssyncset.done $0x0  }
0x78: {  	[sflag:s8] =	ssyncadd.s32 $0xFFFFFF80  }
0x79: {  	v3 =	vld [tilespmem:$0x0];
	_ =	sdelay $0x4  }
0x7a: {  	v60 =	vshll.u32 v3, $0x3  }
0x7b: {  	v3 =	vand.u32 $0x7, v3;
	v4 =	vand.u32 $0xFFFFFFC0, v60  }
0x7c: {  	v3 =	vor.u32 v3, v4  }
0x7d: {  	v4 =	vperm.xlane v3, v0;
	_ =	sdelay $0x1  }
0x7e: {  	v4 =	vadd.s32 v1, v4;
	_ =	sdelay $0x4  }
0x7f: {  	[tilespmem:s0], [sflag:$0x1] =	stream.indirect_vreg.gather [hbm4b:s3+s2], $0x80, v4, vm0, $0xb8;
	[tilespmem:$0x10080] =	vst v63  }
0x80: {  	v3 =	vperm.xlane v3, v2  }
0x81: {  	[tilespmem:s20], [sflag:$0x1] =	stream.indirect_vreg.gather [hbm4b:s4+s2], $0x80, v4, vm0, $0xb8;
	[tilespmem:$0x10080] =	vst v63  }
0x82: {  	v3 =	vadd.s32 v1, v3  }
0x83: {  	[tilespmem:s21], [sflag:$0x1] =	stream.indirect_vreg.gather [hbm4b:s5+s2], $0x80, v4, vm0, $0xb8;
	[tilespmem:$0x10080] =	vst v63  }
0x84: {  	_ = 	snop  }
0x85: {  	[tilespmem:s22], [sflag:$0x1] =	stream.indirect_vreg.gather [hbm4b:s6+s2], $0x80, v4, vm0, $0xb8;
	[tilespmem:$0x10080] =	vst v63  }
0x86: {  	_ = 	snop  }
0x87: {  	[tilespmem:s23], [sflag:$0x1] =	stream.indirect_vreg.gather [hbm4b:s3+s2], $0x80, v3, vm0, $0xb8;
	[tilespmem:$0x10080] =	vst v63  }
0x88: {  	_ = 	snop  }
0x89: {  	[tilespmem:s24], [sflag:$0x1] =	stream.indirect_vreg.gather [hbm4b:s4+s2], $0x80, v3, vm0, $0xb8;
	[tilespmem:$0x10080] =	vst v63  }
0x8a: {  	_ = 	snop  }
0x8b: {  	[tilespmem:s25], [sflag:$0x1] =	stream.indirect_vreg.gather [hbm4b:s5+s2], $0x80, v3, vm0, $0xb8;
	[tilespmem:$0x10080] =	vst v63  }
0x8c: {  	_ = 	snop  }
0x8d: {  	[tilespmem:s26], [sflag:$0x1] =	stream.indirect_vreg.gather [hbm4b:s6+s2], $0x80, v3, vm0, $0xb8;
	[tilespmem:$0x10080] =	vst v63  }
0x8e: {  	v3 =	vld [tilespmem:$0x10];
	_ =	sdelay $0x4  }
0x8f: {  	v61 =	vshll.u32 v3, $0x3  }
0x90: {  	v3 =	vand.u32 $0x7, v3;
	v4 =	vand.u32 $0xFFFFFFC0, v61  }
0x91: {  	v3 =	vor.u32 v3, v4  }
0x92: {  	v4 =	vperm.xlane v3, v0;
	_ =	sdelay $0x1  }
0x93: {  	v4 =	vadd.s32 v1, v4;
	_ =	sdelay $0x4  }
0x94: {  	[tilespmem:s28], [sflag:$0x1] =	stream.indirect_vreg.gather [hbm4b:s3+s2], $0x80, v4, vm0, $0xb8;
	[tilespmem:$0x10080] =	vst v63  }
0x95: {  	v3 =	vperm.xlane v3, v2  }
0x96: {  	[tilespmem:s29], [sflag:$0x1] =	stream.indirect_vreg.gather [hbm4b:s4+s2], $0x80, v4, vm0, $0xb8;
	[tilespmem:$0x10080] =	vst v63  }
0x97: {  	v3 =	vadd.s32 v1, v3  }
0x98: {  	[tilespmem:s30], [sflag:$0x1] =	stream.indirect_vreg.gather [hbm4b:s5+s2], $0x80, v4, vm0, $0xb8;
	[tilespmem:$0x10080] =	vst v63  }
0x99: {  	_ = 	snop  }
0x9a: {  	[tilespmem:s31], [sflag:$0x1] =	stream.indirect_vreg.gather [hbm4b:s6+s2], $0x80, v4, vm0, $0xb8;
	[tilespmem:$0x10080] =	vst v63  }
0x9b: {  	s19 =	simm.s32 $0x6080  }
0x9c: {  	[tilespmem:s19], [sflag:$0x1] =	stream.indirect_vreg.gather [hbm4b:s3+s2], $0x80, v3, vm0, $0xb8;
	[tilespmem:$0x10080] =	vst v63  }
0x9d: {  	_ = 	snop  }
0x9e: {  	[tilespmem:s1], [sflag:$0x1] =	stream.indirect_vreg.gather [hbm4b:s4+s2], $0x80, v3, vm0, $0xb8;
	[tilespmem:$0x10080] =	vst v63  }
0x9f: {  	_ = 	snop  }
0xa0: {  	[tilespmem:s10], [sflag:$0x1] =	stream.indirect_vreg.gather [hbm4b:s5+s2], $0x80, v3, vm0, $0xb8;
	[tilespmem:$0x10080] =	vst v63  }
0xa1: {  	_ = 	snop  }
0xa2: {  	[tilespmem:s11], [sflag:$0x1] =	stream.indirect_vreg.gather [hbm4b:s6+s2], $0x80, v3, vm0, $0xb8;
	[tilespmem:$0x10080] =	vst v63  }
0xa3: {  	v3 =	vld [tilespmem:$0x20];
	_ =	sdelay $0x4  }
0xa4: {  	v62 =	vshll.u32 v3, $0x3  }
0xa5: {  	v3 =	vand.u32 $0x7, v3;
	v4 =	vand.u32 $0xFFFFFFC0, v62  }
0xa6: {  	v3 =	vor.u32 v3, v4  }
0xa7: {  	v4 =	vperm.xlane v3, v0;
	_ =	sdelay $0x1  }
0xa8: {  	v4 =	vadd.s32 v1, v4;
	_ =	sdelay $0x4  }
0xa9: {  	[tilespmem:s12], [sflag:$0x1] =	stream.indirect_vreg.gather [hbm4b:s3+s2], $0x80, v4, vm0, $0xb8;
	[tilespmem:$0x10080] =	vst v63  }
0xaa: {  	v3 =	vperm.xlane v3, v2  }
0xab: {  	[tilespmem:s13], [sflag:$0x1] =	stream.indirect_vreg.gather [hbm4b:s4+s2], $0x80, v4, vm0, $0xb8;
	[tilespmem:$0x10080] =	vst v63  }
0xac: {  	v3 =	vadd.s32 v1, v3  }
0xad: {  	[tilespmem:s14], [sflag:$0x1] =	stream.indirect_vreg.gather [hbm4b:s5+s2], $0x80, v4, vm0, $0xb8;
	[tilespmem:$0x10080] =	vst v63  }
0xae: {  	_ = 	snop  }
0xaf: {  	[tilespmem:s15], [sflag:$0x1] =	stream.indirect_vreg.gather [hbm4b:s6+s2], $0x80, v4, vm0, $0xb8;
	[tilespmem:$0x10080] =	vst v63  }
0xb0: {  	_ = 	snop  }
0xb1: {  	[tilespmem:s16], [sflag:$0x1] =	stream.indirect_vreg.gather [hbm4b:s3+s2], $0x80, v3, vm0, $0xb8;
	[tilespmem:$0x10080] =	vst v63  }
0xb2: {  	_ = 	snop  }
0xb3: {  	[tilespmem:s17], [sflag:$0x1] =	stream.indirect_vreg.gather [hbm4b:s4+s2], $0x80, v3, vm0, $0xb8;
	[tilespmem:$0x10080] =	vst v63  }
0xb4: {  	_ = 	snop  }
0xb5: {  	[tilespmem:s9], [sflag:$0x1] =	stream.indirect_vreg.gather [hbm4b:s5+s2], $0x80, v3, vm0, $0xb8;
	[tilespmem:$0x10080] =	vst v63  }
0xb6: {  	s19 =	simm.s32 $0xB880  }
0xb7: {  	[tilespmem:s19], [sflag:$0x1] =	stream.indirect_vreg.gather [hbm4b:s6+s2], $0x80, v3, vm0, $0xb8;
	[tilespmem:$0x10080] =	vst v63  }
0xb8: {  	v3 =	vld [tilespmem:$0x30];
	_ =	sdelay $0x4  }
0xb9: {  	v63 =	vshll.u32 v3, $0x3  }
0xba: {  	v3 =	vand.u32 $0x7, v3;
	v4 =	vand.u32 $0xFFFFFFC0, v63  }
0xbb: {  	v3 =	vor.u32 v3, v4  }
0xbc: {  	v4 =	vperm.xlane v3, v0;
	_ =	sdelay $0x1  }
0xbd: {  	v4 =	vadd.s32 v1, v4;
	_ =	sdelay $0x3  }
0xbe: {  	s19 =	simm.s32 $0xC080  }
0xbf: {  	[tilespmem:s19], [sflag:$0x1] =	stream.indirect_vreg.gather [hbm4b:s3+s2], $0x80, v4, vm0, $0xb8;
	[tilespmem:$0x10080] =	vst v63  }
0xc0: {  	v3 =	vperm.xlane v3, v2;
	s19 =	simm.s32 $0xC880  }
0xc1: {  	[tilespmem:s19], [sflag:$0x1] =	stream.indirect_vreg.gather [hbm4b:s4+s2], $0x80, v4, vm0, $0xb8;
	[tilespmem:$0x10080] =	vst v63  }
0xc2: {  	v3 =	vadd.s32 v1, v3;
	s19 =	simm.s32 $0xD080  }
0xc3: {  	[tilespmem:s19], [sflag:$0x1] =	stream.indirect_vreg.gather [hbm4b:s5+s2], $0x80, v4, vm0, $0xb8;
	[tilespmem:$0x10080] =	vst v63  }
0xc4: {  	s19 =	simm.s32 $0xD880  }
0xc5: {  	[tilespmem:s19], [sflag:$0x1] =	stream.indirect_vreg.gather [hbm4b:s6+s2], $0x80, v4, vm0, $0xb8;
	[tilespmem:$0x10080] =	vst v63  }
0xc6: {  	s19 =	simm.s32 $0xE080  }
0xc7: {  	[tilespmem:s19], [sflag:$0x1] =	stream.indirect_vreg.gather [hbm4b:s3+s2], $0x80, v3, vm0, $0xb8;
	[tilespmem:$0x10080] =	vst v63  }
0xc8: {  	s19 =	simm.s32 $0xE880  }
0xc9: {  	[tilespmem:s19], [sflag:$0x1] =	stream.indirect_vreg.gather [hbm4b:s4+s2], $0x80, v3, vm0, $0xb8;
	[tilespmem:$0x10080] =	vst v63  }
0xca: {  	s19 =	simm.s32 $0xF080  }
0xcb: {  	[tilespmem:s19], [sflag:$0x1] =	stream.indirect_vreg.gather [hbm4b:s5+s2], $0x80, v3, vm0, $0xb8;
	[tilespmem:$0x10080] =	vst v63  }
0xcc: {  	s19 =	simm.s32 $0xF880  }
0xcd: {  	[tilespmem:s19], [sflag:$0x1] =	stream.indirect_vreg.gather [hbm4b:s6+s2], $0x80, v3, vm0, $0xb8;
	[tilespmem:$0x10080] =	vst v63  }
0xce: {  	_ =	swait.ge [sflag:s18], $0x10000  }
0xcf: {  	p0 =	sne.s32 s7, $0x1;
	[sflag:s18] =	ssyncset.done $0x0  }
.Ltmp0:
0xd0: {  	s1 =	rddreg [dreg:$0x6];
	[sflag:s18] =	ssyncadd.s32 $0xFFFF0000;
	(pc) =	sbr.rel @p0 .LBB2_1-.Ltmp0, $4  }
0xd1: {  	[hbm4b:s1+s2] =	stream.linear.scatter [tilespmem:s0], [sflag:$0x2], $0x10000, $0x38;
	[tilespmem:$0x10080] =	vst v63  }
0xd2: {  	_ =	swait.ge [sflag:s8], $0x10000  }
0xd3: {  	[sflag:s8] =	ssyncset.done $0x0  }
0xd4: {  	s7 =	sadd.s32 $0xFFFFFFFF, s7;
	[sflag:s8] =	ssyncadd.s32 $0xFFFF0000  }
0xd5: {  	_ =	sfence.sel $0x180000  }
0xd6: {  	[bflag:$0x0] =	sbarrier.arrive $0xFFFF  }
0xd7: {  	_ =	strace $0x9000004A  }
0xd8: {  	s0 =	stileid.u32;
	[bflag:$0x2] =	sbarrier.arrive $0xFFFF  }
0xd9: {  	p0 =	sne.s32 s0, $0x0;
	s0 =	rddreg [dreg:$0x2]  }
0xda: {  	s0 =	sadd.s32 @!p0 $0x100000, s0  }
0xdb: {  	[sflag:s0] =	ssyncadd.tile.s32 @!p0 $0x1;
	_ =	shalt  }
.Lfunc_end2:
_tile_overlayer_lowered:
.L_overlay_start_2:
0xdc: {  	(tag) =	ssettag $0x2  }
0xdd: {  	s0 =	rddreg [dreg:$0x0];
	s2 =	stileid.u32  }
0xde: {  	s1 =	rddreg [dreg:$0x1];
	p0 =	sne.s32 s2, $0x0  }
0xdf: {  	s3 =	rddreg [dreg:$0x2];
	[bflag:$0x3] =	sbarrier.arrive $0xFFFF;
	s2 =	simm.s32 @!p0 $0x1C02  }
0xe0: {  	[timem:s3], [sflag:s2] =	dma.local @!p0 [hbm:s0], s1  }
0xe1: {  	s0 =	simm.s32 @!p0 $0x2  }
0xe2: {  	_ =	swait.ge @!p0 [sflag:s0], s1  }
0xe3: {  	s1 =	ssub.s32 @!p0 $0x0, s1;
	[sflag:s0] =	ssyncset.done @!p0 $0x0  }
0xe4: {  	[sflag:s0] =	ssyncadd.s32 @!p0 s1  }
0xe5: {  	[bflag:$0x3] =	sbarrier.arrive $0xFFFF  }
0xe6: {  	_ =	shalt  }

// kernel: kernel.7.cloned.1.call-start
scs
__scs_entry_jumppad:
0x0: {  	(pc) =	sbr.rel $0x88, $3  }
0x1: {  	(tag) =	ssettag $0x0;
	lr =	simm.s32 $0x1  }
0x2: {  	[smem:$0x3F9B] =	sst lr;
	_ =	strace $0xD0000000  }
0x3: {  	_ = 	snop  }
0x4: {  	_ = 	snop  }
0x5: {  	_ = 	snop  }
0x6: {  	_ = 	snop  }
0x7: {  	_ = 	snop  }
__scs_overlays_trampoline_lowered:
0x8: {  	[smem:$0x3FAA] =	sst s0  }
0x9: {  	[smem:$0x3FAB] =	sst s1  }
0xa: {  	[smem:$0x3FAC] =	sst s2  }
0xb: {  	[smem:$0x3FAD] =	sst s3  }
0xc: {  	[smem:$0x3FAE] =	sst s4  }
0xd: {  	[smem:$0x3FAF] =	sst s5  }
0xe: {  	[smem:$0x3FB0] =	sst s6  }
0xf: {  	[smem:$0x3FB1] =	sst s7  }
0x10: {  	[smem:$0x3FB2] =	sst s8  }
0x11: {  	[smem:$0x3FB3] =	sst s9;
	s0 =	simm.s32 @!p0 $0x0  }
0x12: {  	s1 =	sld [smem:$0x3F99];
	s0 =	simm.s32 @p0 $0x1  }
0x13: {  	[smem:$0x3FB4] =	sst s0;
	s0 =	simm.s32 @!p1 $0x0  }
0x14: {  	s2 =	sld [smem:$0x3F98];
	s0 =	simm.s32 @p1 $0x1  }
0x15: {  	[smem:$0x3FB5] =	sst s0;
	s0 =	simm.s32 @!p2 $0x0  }
0x16: {  	s3 =	sld [smem:$0x3FDB];
	s0 =	simm.s32 @p2 $0x1  }
0x17: {  	s4 =	simm.s32 $0x1BF5;
	[smem:$0x3FB7] =	sst s0  }
0x18: {  	s0 =	sld [smem:$0x3F9A];
	_ =	swait.ge [sflag:s4], $0x0  }
0x19: {  	s7 =	sld [smem:$0x3F9B]  }
0x1a: {  	s8 =	sadd.s32 $0xFFFFE003, lr  }
0x1b: {  	s9 =	sadd.s32 $0xFFFFFEF7, lr;
	s5 =	simm.s32 $0xFFFFFFFF;
	p2 =	slt.u32 s8, $0xFFFFF086  }
0x1c: {  	p1 =	slt.u32 s9, $0xF7A;
	s5 =	simm.s32 @!p2 $0x0  }
0x1d: {  	s5 =	simm.s32 @p1 $0x1;
	p0 =	seq.s32 s7, s2  }
0x1e: {  	s7 =	smul.u32 @!p0 $0xF7A, s2;
	p2 =	seq.s32 @!p0 s5, $0x0  }
0x1f: {  	s9 =	smul.u32 $0xF7A, s1;
	s8 =	simm.s32 @!p0 $0x1BF5;
	p2 =	por !p2, p0  }
0x20: {  	[sflag:s8] =	ssyncset.s32 @!p0 $0xFFFFF086;
	s6 =	sadd.s32 @!p0 s3, s7;
	s7 =	simm.s32 @!p0 $0x108  }
0x21: {  	s3 =	sadd.s32 s3, s9;
	s6 =	sadd.s32 @!p0 $0x88, s6;
	s7 =	simm.s32 @p2 $0x1082  }
0x22: {  	[simem:s7], [sflag:s8] =	dma.local @!p0 [hbm:s6], $0xF7A  }
0x23: {  	s9 =	sor.u32 $0xD0000000, s2;
	s6 =	simm.s32 $0x108;
	_ =	swait.ge @!p0 [sflag:s8], $0x0  }
0x24: {  	s3 =	sadd.s32 $0x88, s3;
	s6 =	simm.s32 @!p1 $0x1082;
	[sflag:s4] =	ssyncset.s32 $0xFFFFF086  }
0x25: {  	[simem:s6], [sflag:s4] =	dma.local [hbm:s3], $0xF7A  }
0x26: {  	[smem:$0x3F9B] =	sst s1;
	(tag) =	ssettag s2;
	_ =	strace s9  }
0x27: {  	s1 =	sld [smem:$0x3FAB]  }
0x28: {  	s2 =	sld [smem:$0x3FAC]  }
0x29: {  	s4 =	sld [smem:$0x3FAE]  }
0x2a: {  	p0 =	seq.s32 s5, $0x0;
	s5 =	sld [smem:$0x3FAF]  }
0x2b: {  	s6 =	sld [smem:$0x3FB0]  }
0x2c: {  	s7 =	sld [smem:$0x3FB1]  }
0x2d: {  	s3 =	simm.s32 $0x108;
	s8 =	sld [smem:$0x3FB2]  }
0x2e: {  	s3 =	simm.s32 @!p0 $0x1082;
	s9 =	sld [smem:$0x3FB3]  }
0x2f: {  	lr =	sadd.s32 s0, s3;
	s0 =	sld [smem:$0x3FAA]  }
0x30: {  	s3 =	sld [smem:$0x3FAD]  }
0x31: {  	[smem:$0x3FB6] =	sst s10  }
0x32: {  	s10 =	sld [smem:$0x3FB4];
	_ =	sdelay $0x3  }
0x33: {  	p0 =	seq.s32 s10, $0x1;
	s10 =	sld [smem:$0x3FB6];
	_ =	sdelay $0x3  }
0x34: {  	[smem:$0x3FB6] =	sst s10  }
0x35: {  	s10 =	sld [smem:$0x3FB5];
	_ =	sdelay $0x3  }
0x36: {  	p1 =	seq.s32 s10, $0x1;
	s10 =	sld [smem:$0x3FB6];
	_ =	sdelay $0x3  }
0x37: {  	[smem:$0x3FB6] =	sst s10  }
0x38: {  	s10 =	sld [smem:$0x3FB7]  }
0x39: {  	_ = 	snop;
	(pc) =	sbr.ind lr, $3  }
0x3a: {  	_ = 	snop  }
0x3b: {  	_ = 	snop  }
0x3c: {  	p2 =	seq.s32 s10, $0x1;
	s10 =	sld [smem:$0x3FB6]  }
0x3d: {  	_ =	shalt  }
0x3e: {  	_ =	shalt  }
0x3f: {  	_ =	shalt  }
0x40: {  	_ =	shalt  }
0x41: {  	_ =	shalt  }
0x42: {  	_ =	shalt  }
0x43: {  	_ =	shalt  }
0x44: {  	_ =	shalt  }
0x45: {  	_ =	shalt  }
0x46: {  	_ =	shalt  }
0x47: {  	_ =	shalt  }
0x48: {  	_ =	shalt  }
0x49: {  	_ =	shalt  }
0x4a: {  	_ =	shalt  }
0x4b: {  	_ =	shalt  }
0x4c: {  	_ =	shalt  }
0x4d: {  	_ =	shalt  }
0x4e: {  	_ =	shalt  }
0x4f: {  	_ =	shalt  }
0x50: {  	_ =	shalt  }
0x51: {  	_ =	shalt  }
0x52: {  	_ =	shalt  }
0x53: {  	_ =	shalt  }
0x54: {  	_ =	shalt  }
0x55: {  	_ =	shalt  }
0x56: {  	_ =	shalt  }
0x57: {  	_ =	shalt  }
0x58: {  	_ =	shalt  }
0x59: {  	_ =	shalt  }
0x5a: {  	_ =	shalt  }
0x5b: {  	_ =	shalt  }
0x5c: {  	_ =	shalt  }
0x5d: {  	_ =	shalt  }
0x5e: {  	_ =	shalt  }
0x5f: {  	_ =	shalt  }
0x60: {  	_ =	shalt  }
0x61: {  	_ =	shalt  }
0x62: {  	_ =	shalt  }
0x63: {  	_ =	shalt  }
0x64: {  	_ =	shalt  }
0x65: {  	_ =	shalt  }
0x66: {  	_ =	shalt  }
0x67: {  	_ =	shalt  }
0x68: {  	_ =	shalt  }
0x69: {  	_ =	shalt  }
0x6a: {  	_ =	shalt  }
0x6b: {  	_ =	shalt  }
0x6c: {  	_ =	shalt  }
0x6d: {  	_ =	shalt  }
0x6e: {  	_ =	shalt  }
0x6f: {  	_ =	shalt  }
0x70: {  	_ =	shalt  }
0x71: {  	_ =	shalt  }
0x72: {  	_ =	shalt  }
0x73: {  	_ =	shalt  }
0x74: {  	_ =	shalt  }
0x75: {  	_ =	shalt  }
0x76: {  	_ =	shalt  }
0x77: {  	_ =	shalt  }
0x78: {  	_ =	shalt  }
0x79: {  	_ =	shalt  }
0x7a: {  	_ =	shalt  }
0x7b: {  	_ =	shalt  }
0x7c: {  	_ =	shalt  }
0x7d: {  	_ =	shalt  }
0x7e: {  	_ =	shalt  }
0x7f: {  	_ =	shalt  }
0x80: {  	_ =	shalt  }
0x81: {  	_ =	shalt  }
0x82: {  	_ =	shalt  }
0x83: {  	_ =	shalt  }
0x84: {  	_ =	shalt  }
0x85: {  	_ =	shalt  }
0x86: {  	_ =	shalt  }
0x87: {  	_ =	shalt  }
.Lfunc_end0:
.L_simem_size_0:
called_computation_lowered:
.L_overlay_start_0:
0x88: {  	s2 =	sld [smem:$0x3FD9]  }
0x89: {  	s3 =	sld [smem:$0x3FFE];
	_ =	sdelay $0x1  }
0x8a: {  	s1 =	srdreg.scid  }
0x8b: {  	s0 =	sand.u32 $0x1, s1  }
0x8c: {  	s17 =	sshll.u32 s0, $0xA;
	s2 =	sadd.s32 s3, s2  }
0x8d: {  	s2 =	sadd.s32 s2, s17  }
0x8e: {  	[smem:$0x3FC2] =	sst s2  }
0x8f: {  	_ = 	snop  }
0x90: {  	s2 =	sld [smem:$0x3FC9];
	(tm) =	ssettm $0x1  }
0x91: {  	s18 =	sld [smem:$0x3FFB];
	_ =	sdelay $0x3  }
0x92: {  	_ =	strace s18  }
0x93: {  	s3 =	sld [smem:$0x3FFC];
	_ =	sdelay $0x3  }
0x94: {  	_ =	strace s3  }
0x95: {  	s3 =	sld [smem:$0x3FFD];
	_ =	sdelay $0x3  }
0x96: {  	_ =	strace s3  }
0x97: {  	_ =	strace $0x8FFFFFFF  }
0x98: {  	s19 =	sld [smem:$0x3FDB];
	_ =	sdelay $0x1  }
0x99: {  	s4 =	simm.s32 $_scs_section_size  }
0x9a: {  	s5 =	simm.s32 $_size__tile_overlayer_lowered;
	s6 =	simm.s32 $_tile_overlayer_lowered  }
0x9b: {  	s22 =	simm.s32 $0x1BFF;
	s21 =	sshll.u32 s6, $0x1;
	s3 =	sadd.s32 s4, s19  }
0x9c: {  	s7 =	simm.s32 $0x0;
	s20 =	sshll.u32 s5, $0x1;
	s5 =	sadd.s32 s21, s3  }
0x9d: {  	[timem:s7], [sflag:s22] =	dma.local [hbm:s5], s20  }
0x9e: {  	_ =	swait.ge [sflag:s22], s20  }
0x9f: {  	s4 =	ssub.s32 $0x0, s20;
	[sflag:s22] =	ssyncset.done $0x0  }
0xa0: {  	[sflag:s22] =	ssyncadd.s32 s4;
	_ =	sdelay $0x1  }
0xa1: {  	s23 =	simm.s32 $0x1B8B  }
0xa2: {  	_ =	swait.ge [sflag:s23], $0x1  }
0xa3: {  	[sflag:s23] =	ssyncset.done $0x0  }
0xa4: {  	s25 =	simm.s32 $0x1B8E;
	s24 =	sld [smem:$0x3FFE];
	[sflag:s23] =	ssyncadd.s32 $0xFFFFFFFF  }
0xa5: {  	s26 =	simm.s32 $execute0_lowered;
	[smem:$0x3FD2] =	sst s25  }
0xa6: {  	s5 =	sshll.u32 s26, $0x1;
	_ =	strace $0x80000046;
	[dreg:$0x1] =	wrdreg $0xFFFFFFFF  }
0xa7: {  	s28 =	simm.s32 $_size_execute0_lowered;
	s3 =	sadd.s32 s3, s5;
	[dreg:$0x0] =	wrdreg $0x0  }
0xa8: {  	s5 =	sshll.u32 s28, $0x1;
	[dreg:$0x2] =	wrdreg s3  }
0xa9: {  	[dreg:$0x3] =	wrdreg s5  }
0xaa: {  	[dreg:$0x4] =	wrdreg $0xC0  }
0xab: {  	_ =	task [dreg:s7], $0x5FFFF  }
0xac: {  	[dreg:$0x1] =	wrdreg $0xFFFFFFFF  }
0xad: {  	[dreg:$0x0] =	wrdreg $0x60  }
0xae: {  	[dreg:$0x2] =	wrdreg s2  }
0xaf: {  	[dreg:$0x3] =	wrdreg s24  }
0xb0: {  	[dreg:$0x4] =	wrdreg $0x9  }
0xb1: {  	_ =	task.clear_ibuf [dreg:s7], $0x5FFFF;
	_ =	strace $0x90000046  }
0xb2: {  	s29 =	simm.s32 $0x9;
	_ =	strace $0x80000048  }
0xb3: {  	_ =	swait.ge [sflag:s29], $0x1  }
0xb4: {  	[sflag:s29] =	ssyncadd.s32 $0xFFFFFFFF  }
0xb5: {  	_ =	strace $0x90000048  }
0xb6: {  	_ =	sfence  }
0xb7: {  	s30 =	sld [smem:$0x0];
	_ =	sdelay $0x2  }
0xb8: {  	s31 =	sshll.u32 s1, $0xD;
	s1 =	sshrl.u32 s1, $0x2  }
0xb9: {  	s3 =	sand.u32 $0x4000, s31;
	s1 =	sadd.s32 s1, s30  }
0xba: {  	s0 =	sor.u32 s3, s0;
	s1 =	sshll.u32 s1, $0x11  }
0xbb: {  	s0 =	sor.u32 s1, s0  }
0xbc: {  	s0 =	sadd.s32 $0x8F2B, s0  }
0xbd: {  	[sflag:s0] =	ssyncadd.remote.s32 $0x1  }
0xbe: {  	_ =	sfence.sel $0xFFFF  }
0xbf: {  	[dreg:$0x0] =	wrdreg $0xFFFFFFFF;
	(pc) =	sbr.abs _section_cstart, $3  }
0xc0: {  	[dreg:$0x1] =	wrdreg $0xFFFFFFFF  }
0xc1: {  	_ =	task.clear_ibuf [dreg:s7], $0x2FFFF;
	_ =	strace $0x9FFFFFFF  }
0xc2: {  	(tm) =	ssettm $0x7FFFFFFF  }
0xc3: {  	_ =	shalt  }
tec
execute0_lowered:
.L_overlay_start_1:
0x0: {  	(tag) =	ssettag $0x1  }
0x1: {  	s0 =	rddreg [dreg:$0x0];
	s1 =	srdreg.scid  }
0x2: {  	s2 =	stileid.u32;
	s6 =	rddreg [dreg:$0x1]  }
0x3: {  	s9 =	simm.s32 $0x2;
	s18 =	simm.s32 $0x1;
	s20 =	simm.s32 $0x880  }
0x4: {  	s21 =	simm.s32 $0x1080;
	s22 =	simm.s32 $0x1880;
	s28 =	simm.s32 $0x4080  }
0x5: {  	s29 =	simm.s32 $0x4880;
	s30 =	simm.s32 $0x5080;
	s31 =	simm.s32 $0x5880  }
0x6: {  	s10 =	simm.s32 $0x7080;
	s11 =	simm.s32 $0x7880;
	s12 =	simm.s32 $0x8080  }
0x7: {  	s13 =	simm.s32 $0x8880;
	s14 =	simm.s32 $0x9080;
	s15 =	simm.s32 $0x9880  }
0x8: {  	s16 =	simm.s32 $0xA080;
	s17 =	simm.s32 $0xA880;
	s1 =	sand.u32 $0x1, s1  }
0x9: {  	s3 =	sshll.u32 s2, $0x1;
	s2 =	simm.s32 $0x0;
	s5 =	sadd.s32 $0x1400, s6  }
0xa: {  	s3 =	sor.u32 s1, s3;
	[smem:$0x7FF] =	sst s2;
	s1 =	ssub.s32 $0x2, s1  }
0xb: {  	s4 =	sshll.u32 s3, $0x4;
	_ =	strace $0x80000047;
	s23 =	sshll.u32 s3, $0xD  }
0xc: {  	s3 =	sadd.s32 $0x1200, s6;
	s24 =	sshrl.u32 s1, $0x1;
	s7 =	sadd.s32 s4, s6  }
0xd: {  	s0 =	sadd.s32 s0, s23;
	s1 =	ssub.s32 s1, s24;
	s4 =	sadd.s32 $0x1300, s6  }
0xe: {  	s6 =	sadd.s32 $0x1500, s6;
	s23 =	simm.s32 $0x2080;
	s24 =	simm.s32 $0x2880  }
0xf: {  	v2 =	vlaneseq.u32;
	[dreg:$0x3] =	wrdreg s0;
	s25 =	sadd.s32 $0x1000, s7;
	s26 =	sadd.s32 $0xE00, s7  }
0x10: {  	vm0 =	vmmov $0xffff;
	v1 =	vshrl.u32 v2, $0x3;
	s7 =	smax.u32 s1, $0x1;
	s1 =	simm.s32 $0x6080;
	[dreg:$0x4] =	wrdreg s25  }
0x11: {  	v0 =	vand.u32 $0x7, v2;
	v2 =	vor.u32 $0x8, v2;
	v1 =	vmul.u32 $0x8, v1;
	[dreg:$0x5] =	wrdreg s26;
	s25 =	simm.s32 $0x3080;
	s26 =	simm.s32 $0x3880  }
.LBB2_1:
0x12: {  	s19 =	rddreg [dreg:$0x3];
	s0 =	simm.s32 $0x80  }
0x13: {  	[tilespmem:s0], [sflag:$0x2] =	stream.linear.gather [hbm4b:s19+s2], $0x10000, $0x38;
	[tilespmem:$0x10080] =	vst v63  }
0x14: {  	_ =	swait.ge [sflag:s9], $0x10000  }
0x15: {  	[sflag:s9] =	ssyncset.done $0x0  }
0x16: {  	s8 =	rddreg [dreg:$0x4];
	[sflag:s9] =	ssyncadd.s32 $0xFFFF0000  }
0x17: {  	[tilespmem:s2], [sflag:$0x2] =	stream.linear.gather [hbm4b:s8+s2], $0x80, $0x38;
	[tilespmem:$0x10080] =	vst v63  }
0x18: {  	_ =	swait.ge [sflag:s9], $0x80  }
0x19: {  	[sflag:s9] =	ssyncset.done $0x0  }
0x1a: {  	[sflag:s9] =	ssyncadd.s32 $0xFFFFFF80  }
0x1b: {  	v3 =	vld [tilespmem:$0x0];
	_ =	sdelay $0x4  }
0x1c: {  	v4 =	vshll.u32 v3, $0x3  }
0x1d: {  	v3 =	vand.u32 $0x7, v3;
	v4 =	vand.u32 $0xFFFFFFC0, v4  }
0x1e: {  	v3 =	vor.u32 v3, v4  }
0x1f: {  	v4 =	vperm.xlane v3, v0;
	_ =	sdelay $0x1  }
0x20: {  	v4 =	vadd.s32 v1, v4;
	_ =	sdelay $0x4  }
0x21: {  	[hbm4b:s3+s2] =	stream.indirect_vreg.scatter [tilespmem:s0], [sflag:$0x1], $0x80, v4, vm0, $0xb8;
	[tilespmem:$0x10080] =	vst v63  }
0x22: {  	v3 =	vperm.xlane v3, v2  }
0x23: {  	[hbm4b:s4+s2] =	stream.indirect_vreg.scatter [tilespmem:s20], [sflag:$0x1], $0x80, v4, vm0, $0xb8;
	[tilespmem:$0x10080] =	vst v63  }
0x24: {  	v3 =	vadd.s32 v1, v3  }
0x25: {  	[hbm4b:s5+s2] =	stream.indirect_vreg.scatter [tilespmem:s21], [sflag:$0x1], $0x80, v4, vm0, $0xb8;
	[tilespmem:$0x10080] =	vst v63  }
0x26: {  	_ = 	snop  }
0x27: {  	[hbm4b:s6+s2] =	stream.indirect_vreg.scatter [tilespmem:s22], [sflag:$0x1], $0x80, v4, vm0, $0xb8;
	[tilespmem:$0x10080] =	vst v63  }
0x28: {  	_ = 	snop  }
0x29: {  	[hbm4b:s3+s2] =	stream.indirect_vreg.scatter [tilespmem:s23], [sflag:$0x1], $0x80, v3, vm0, $0xb8;
	[tilespmem:$0x10080] =	vst v63  }
0x2a: {  	_ = 	snop  }
0x2b: {  	[hbm4b:s4+s2] =	stream.indirect_vreg.scatter [tilespmem:s24], [sflag:$0x1], $0x80, v3, vm0, $0xb8;
	[tilespmem:$0x10080] =	vst v63  }
0x2c: {  	_ = 	snop  }
0x2d: {  	[hbm4b:s5+s2] =	stream.indirect_vreg.scatter [tilespmem:s25], [sflag:$0x1], $0x80, v3, vm0, $0xb8;
	[tilespmem:$0x10080] =	vst v63  }
0x2e: {  	_ = 	snop  }
0x2f: {  	[hbm4b:s6+s2] =	stream.indirect_vreg.scatter [tilespmem:s26], [sflag:$0x1], $0x80, v3, vm0, $0xb8;
	[tilespmem:$0x10080] =	vst v63  }
0x30: {  	v3 =	vld [tilespmem:$0x10];
	_ =	sdelay $0x4  }
0x31: {  	v57 =	vshll.u32 v3, $0x3  }
0x32: {  	v3 =	vand.u32 $0x7, v3;
	v4 =	vand.u32 $0xFFFFFFC0, v57  }
0x33: {  	v3 =	vor.u32 v3, v4  }
0x34: {  	v4 =	vperm.xlane v3, v0;
	_ =	sdelay $0x1  }
0x35: {  	v4 =	vadd.s32 v1, v4;
	_ =	sdelay $0x4  }
0x36: {  	[hbm4b:s3+s2] =	stream.indirect_vreg.scatter [tilespmem:s28], [sflag:$0x1], $0x80, v4, vm0, $0xb8;
	[tilespmem:$0x10080] =	vst v63  }
0x37: {  	v3 =	vperm.xlane v3, v2  }
0x38: {  	[hbm4b:s4+s2] =	stream.indirect_vreg.scatter [tilespmem:s29], [sflag:$0x1], $0x80, v4, vm0, $0xb8;
	[tilespmem:$0x10080] =	vst v63  }
0x39: {  	v3 =	vadd.s32 v1, v3  }
0x3a: {  	[hbm4b:s5+s2] =	stream.indirect_vreg.scatter [tilespmem:s30], [sflag:$0x1], $0x80, v4, vm0, $0xb8;
	[tilespmem:$0x10080] =	vst v63  }
0x3b: {  	_ = 	snop  }
0x3c: {  	[hbm4b:s6+s2] =	stream.indirect_vreg.scatter [tilespmem:s31], [sflag:$0x1], $0x80, v4, vm0, $0xb8;
	[tilespmem:$0x10080] =	vst v63  }
0x3d: {  	_ = 	snop  }
0x3e: {  	[hbm4b:s3+s2] =	stream.indirect_vreg.scatter [tilespmem:s1], [sflag:$0x1], $0x80, v3, vm0, $0xb8;
	[tilespmem:$0x10080] =	vst v63  }
0x3f: {  	s8 =	simm.s32 $0x6880  }
0x40: {  	[hbm4b:s4+s2] =	stream.indirect_vreg.scatter [tilespmem:s8], [sflag:$0x1], $0x80, v3, vm0, $0xb8;
	[tilespmem:$0x10080] =	vst v63  }
0x41: {  	_ = 	snop  }
0x42: {  	[hbm4b:s5+s2] =	stream.indirect_vreg.scatter [tilespmem:s10], [sflag:$0x1], $0x80, v3, vm0, $0xb8;
	[tilespmem:$0x10080] =	vst v63  }
0x43: {  	_ = 	snop  }
0x44: {  	[hbm4b:s6+s2] =	stream.indirect_vreg.scatter [tilespmem:s11], [sflag:$0x1], $0x80, v3, vm0, $0xb8;
	[tilespmem:$0x10080] =	vst v63  }
0x45: {  	v3 =	vld [tilespmem:$0x20];
	_ =	sdelay $0x4  }
0x46: {  	v58 =	vshll.u32 v3, $0x3  }
0x47: {  	v3 =	vand.u32 $0x7, v3;
	v4 =	vand.u32 $0xFFFFFFC0, v58  }
0x48: {  	v3 =	vor.u32 v3, v4  }
0x49: {  	v4 =	vperm.xlane v3, v0;
	_ =	sdelay $0x1  }
0x4a: {  	v4 =	vadd.s32 v1, v4;
	_ =	sdelay $0x4  }
0x4b: {  	[hbm4b:s3+s2] =	stream.indirect_vreg.scatter [tilespmem:s12], [sflag:$0x1], $0x80, v4, vm0, $0xb8;
	[tilespmem:$0x10080] =	vst v63  }
0x4c: {  	v3 =	vperm.xlane v3, v2  }
0x4d: {  	[hbm4b:s4+s2] =	stream.indirect_vreg.scatter [tilespmem:s13], [sflag:$0x1], $0x80, v4, vm0, $0xb8;
	[tilespmem:$0x10080] =	vst v63  }
0x4e: {  	v3 =	vadd.s32 v1, v3  }
0x4f: {  	[hbm4b:s5+s2] =	stream.indirect_vreg.scatter [tilespmem:s14], [sflag:$0x1], $0x80, v4, vm0, $0xb8;
	[tilespmem:$0x10080] =	vst v63  }
0x50: {  	_ = 	snop  }
0x51: {  	[hbm4b:s6+s2] =	stream.indirect_vreg.scatter [tilespmem:s15], [sflag:$0x1], $0x80, v4, vm0, $0xb8;
	[tilespmem:$0x10080] =	vst v63  }
0x52: {  	_ = 	snop  }
0x53: {  	[hbm4b:s3+s2] =	stream.indirect_vreg.scatter [tilespmem:s16], [sflag:$0x1], $0x80, v3, vm0, $0xb8;
	[tilespmem:$0x10080] =	vst v63  }
0x54: {  	_ = 	snop  }
0x55: {  	[hbm4b:s4+s2] =	stream.indirect_vreg.scatter [tilespmem:s17], [sflag:$0x1], $0x80, v3, vm0, $0xb8;
	[tilespmem:$0x10080] =	vst v63  }
0x56: {  	s8 =	simm.s32 $0xB080  }
0x57: {  	[hbm4b:s5+s2] =	stream.indirect_vreg.scatter [tilespmem:s8], [sflag:$0x1], $0x80, v3, vm0, $0xb8;
	[tilespmem:$0x10080] =	vst v63  }
0x58: {  	s19 =	simm.s32 $0xB880  }
0x59: {  	[hbm4b:s6+s2] =	stream.indirect_vreg.scatter [tilespmem:s19], [sflag:$0x1], $0x80, v3, vm0, $0xb8;
	[tilespmem:$0x10080] =	vst v63  }
0x5a: {  	v3 =	vld [tilespmem:$0x30];
	_ =	sdelay $0x4  }
0x5b: {  	v59 =	vshll.u32 v3, $0x3  }
0x5c: {  	v3 =	vand.u32 $0x7, v3;
	v4 =	vand.u32 $0xFFFFFFC0, v59  }
0x5d: {  	v3 =	vor.u32 v3, v4  }
0x5e: {  	v4 =	vperm.xlane v3, v0;
	_ =	sdelay $0x1  }
0x5f: {  	v4 =	vadd.s32 v1, v4;
	_ =	sdelay $0x3  }
0x60: {  	s19 =	simm.s32 $0xC080  }
0x61: {  	[hbm4b:s3+s2] =	stream.indirect_vreg.scatter [tilespmem:s19], [sflag:$0x1], $0x80, v4, vm0, $0xb8;
	[tilespmem:$0x10080] =	vst v63  }
0x62: {  	v3 =	vperm.xlane v3, v2;
	s19 =	simm.s32 $0xC880  }
0x63: {  	[hbm4b:s4+s2] =	stream.indirect_vreg.scatter [tilespmem:s19], [sflag:$0x1], $0x80, v4, vm0, $0xb8;
	[tilespmem:$0x10080] =	vst v63  }
0x64: {  	v3 =	vadd.s32 v1, v3;
	s19 =	simm.s32 $0xD080  }
0x65: {  	[hbm4b:s5+s2] =	stream.indirect_vreg.scatter [tilespmem:s19], [sflag:$0x1], $0x80, v4, vm0, $0xb8;
	[tilespmem:$0x10080] =	vst v63  }
0x66: {  	s19 =	simm.s32 $0xD880  }
0x67: {  	[hbm4b:s6+s2] =	stream.indirect_vreg.scatter [tilespmem:s19], [sflag:$0x1], $0x80, v4, vm0, $0xb8;
	[tilespmem:$0x10080] =	vst v63  }
0x68: {  	s19 =	simm.s32 $0xE080  }
0x69: {  	[hbm4b:s3+s2] =	stream.indirect_vreg.scatter [tilespmem:s19], [sflag:$0x1], $0x80, v3, vm0, $0xb8;
	[tilespmem:$0x10080] =	vst v63  }
0x6a: {  	s19 =	simm.s32 $0xE880  }
0x6b: {  	[hbm4b:s4+s2] =	stream.indirect_vreg.scatter [tilespmem:s19], [sflag:$0x1], $0x80, v3, vm0, $0xb8;
	[tilespmem:$0x10080] =	vst v63  }
0x6c: {  	s19 =	simm.s32 $0xF080  }
0x6d: {  	[hbm4b:s5+s2] =	stream.indirect_vreg.scatter [tilespmem:s19], [sflag:$0x1], $0x80, v3, vm0, $0xb8;
	[tilespmem:$0x10080] =	vst v63  }
0x6e: {  	s19 =	simm.s32 $0xF880  }
0x6f: {  	[hbm4b:s6+s2] =	stream.indirect_vreg.scatter [tilespmem:s19], [sflag:$0x1], $0x80, v3, vm0, $0xb8;
	[tilespmem:$0x10080] =	vst v63  }
0x70: {  	_ =	swait.ge [sflag:s18], $0x10000  }
0x71: {  	[sflag:s18] =	ssyncset.done $0x0  }
0x72: {  	s19 =	rddreg [dreg:$0x5];
	[sflag:s18] =	ssyncadd.s32 $0xFFFF0000  }
0x73: {  	[tilespmem:s2], [sflag:$0x2] =	stream.linear.gather [hbm4b:s19+s2], $0x80, $0x38;
	[tilespmem:$0x10080] =	vst v63  }
0x74: {  	_ =	swait.ge [sflag:s9], $0x80  }
0x75: {  	[sflag:s9] =	ssyncset.done $0x0  }
0x76: {  	[sflag:s9] =	ssyncadd.s32 $0xFFFFFF80  }
0x77: {  	v3 =	vld [tilespmem:$0x0];
	_ =	sdelay $0x4  }
0x78: {  	v60 =	vshll.u32 v3, $0x3  }
0x79: {  	v3 =	vand.u32 $0x7, v3;
	v4 =	vand.u32 $0xFFFFFFC0, v60  }
0x7a: {  	v3 =	vor.u32 v3, v4  }
0x7b: {  	v4 =	vperm.xlane v3, v0;
	_ =	sdelay $0x1  }
0x7c: {  	v4 =	vadd.s32 v1, v4;
	_ =	sdelay $0x4  }
0x7d: {  	[hbm4b:s3+s2] =	stream.indirect_vreg.scatter [tilespmem:s0], [sflag:$0x1], $0x80, v4, vm0, $0xb8;
	[tilespmem:$0x10080] =	vst v63  }
0x7e: {  	v3 =	vperm.xlane v3, v2  }
0x7f: {  	[hbm4b:s4+s2] =	stream.indirect_vreg.scatter [tilespmem:s20], [sflag:$0x1], $0x80, v4, vm0, $0xb8;
	[tilespmem:$0x10080] =	vst v63  }
0x80: {  	v3 =	vadd.s32 v1, v3  }
0x81: {  	[hbm4b:s5+s2] =	stream.indirect_vreg.scatter [tilespmem:s21], [sflag:$0x1], $0x80, v4, vm0, $0xb8;
	[tilespmem:$0x10080] =	vst v63  }
0x82: {  	_ = 	snop  }
0x83: {  	[hbm4b:s6+s2] =	stream.indirect_vreg.scatter [tilespmem:s22], [sflag:$0x1], $0x80, v4, vm0, $0xb8;
	[tilespmem:$0x10080] =	vst v63  }
0x84: {  	_ = 	snop  }
0x85: {  	[hbm4b:s3+s2] =	stream.indirect_vreg.scatter [tilespmem:s23], [sflag:$0x1], $0x80, v3, vm0, $0xb8;
	[tilespmem:$0x10080] =	vst v63  }
0x86: {  	_ = 	snop  }
0x87: {  	[hbm4b:s4+s2] =	stream.indirect_vreg.scatter [tilespmem:s24], [sflag:$0x1], $0x80, v3, vm0, $0xb8;
	[tilespmem:$0x10080] =	vst v63  }
0x88: {  	_ = 	snop  }
0x89: {  	[hbm4b:s5+s2] =	stream.indirect_vreg.scatter [tilespmem:s25], [sflag:$0x1], $0x80, v3, vm0, $0xb8;
	[tilespmem:$0x10080] =	vst v63  }
0x8a: {  	_ = 	snop  }
0x8b: {  	[hbm4b:s6+s2] =	stream.indirect_vreg.scatter [tilespmem:s26], [sflag:$0x1], $0x80, v3, vm0, $0xb8;
	[tilespmem:$0x10080] =	vst v63  }
0x8c: {  	v3 =	vld [tilespmem:$0x10];
	_ =	sdelay $0x4  }
0x8d: {  	v61 =	vshll.u32 v3, $0x3  }
0x8e: {  	v3 =	vand.u32 $0x7, v3;
	v4 =	vand.u32 $0xFFFFFFC0, v61  }
0x8f: {  	v3 =	vor.u32 v3, v4  }
0x90: {  	v4 =	vperm.xlane v3, v0;
	_ =	sdelay $0x1  }
0x91: {  	v4 =	vadd.s32 v1, v4;
	_ =	sdelay $0x4  }
0x92: {  	[hbm4b:s3+s2] =	stream.indirect_vreg.scatter [tilespmem:s28], [sflag:$0x1], $0x80, v4, vm0, $0xb8;
	[tilespmem:$0x10080] =	vst v63  }
0x93: {  	v3 =	vperm.xlane v3, v2  }
0x94: {  	[hbm4b:s4+s2] =	stream.indirect_vreg.scatter [tilespmem:s29], [sflag:$0x1], $0x80, v4, vm0, $0xb8;
	[tilespmem:$0x10080] =	vst v63  }
0x95: {  	v3 =	vadd.s32 v1, v3  }
0x96: {  	[hbm4b:s5+s2] =	stream.indirect_vreg.scatter [tilespmem:s30], [sflag:$0x1], $0x80, v4, vm0, $0xb8;
	[tilespmem:$0x10080] =	vst v63  }
0x97: {  	_ = 	snop  }
0x98: {  	[hbm4b:s6+s2] =	stream.indirect_vreg.scatter [tilespmem:s31], [sflag:$0x1], $0x80, v4, vm0, $0xb8;
	[tilespmem:$0x10080] =	vst v63  }
0x99: {  	_ = 	snop  }
0x9a: {  	[hbm4b:s3+s2] =	stream.indirect_vreg.scatter [tilespmem:s1], [sflag:$0x1], $0x80, v3, vm0, $0xb8;
	[tilespmem:$0x10080] =	vst v63  }
0x9b: {  	s19 =	simm.s32 $0x6880  }
0x9c: {  	[hbm4b:s4+s2] =	stream.indirect_vreg.scatter [tilespmem:s19], [sflag:$0x1], $0x80, v3, vm0, $0xb8;
	[tilespmem:$0x10080] =	vst v63  }
0x9d: {  	_ = 	snop  }
0x9e: {  	[hbm4b:s5+s2] =	stream.indirect_vreg.scatter [tilespmem:s10], [sflag:$0x1], $0x80, v3, vm0, $0xb8;
	[tilespmem:$0x10080] =	vst v63  }
0x9f: {  	_ = 	snop  }
0xa0: {  	[hbm4b:s6+s2] =	stream.indirect_vreg.scatter [tilespmem:s11], [sflag:$0x1], $0x80, v3, vm0, $0xb8;
	[tilespmem:$0x10080] =	vst v63  }
0xa1: {  	v3 =	vld [tilespmem:$0x20];
	_ =	sdelay $0x4  }
0xa2: {  	v62 =	vshll.u32 v3, $0x3  }
0xa3: {  	v3 =	vand.u32 $0x7, v3;
	v4 =	vand.u32 $0xFFFFFFC0, v62  }
0xa4: {  	v3 =	vor.u32 v3, v4  }
0xa5: {  	v4 =	vperm.xlane v3, v0;
	_ =	sdelay $0x1  }
0xa6: {  	v4 =	vadd.s32 v1, v4;
	_ =	sdelay $0x4  }
0xa7: {  	[hbm4b:s3+s2] =	stream.indirect_vreg.scatter [tilespmem:s12], [sflag:$0x1], $0x80, v4, vm0, $0xb8;
	[tilespmem:$0x10080] =	vst v63  }
0xa8: {  	v3 =	vperm.xlane v3, v2  }
0xa9: {  	[hbm4b:s4+s2] =	stream.indirect_vreg.scatter [tilespmem:s13], [sflag:$0x1], $0x80, v4, vm0, $0xb8;
	[tilespmem:$0x10080] =	vst v63  }
0xaa: {  	v3 =	vadd.s32 v1, v3  }
0xab: {  	[hbm4b:s5+s2] =	stream.indirect_vreg.scatter [tilespmem:s14], [sflag:$0x1], $0x80, v4, vm0, $0xb8;
	[tilespmem:$0x10080] =	vst v63  }
0xac: {  	_ = 	snop  }
0xad: {  	[hbm4b:s6+s2] =	stream.indirect_vreg.scatter [tilespmem:s15], [sflag:$0x1], $0x80, v4, vm0, $0xb8;
	[tilespmem:$0x10080] =	vst v63  }
0xae: {  	_ = 	snop  }
0xaf: {  	[hbm4b:s3+s2] =	stream.indirect_vreg.scatter [tilespmem:s16], [sflag:$0x1], $0x80, v3, vm0, $0xb8;
	[tilespmem:$0x10080] =	vst v63  }
0xb0: {  	_ = 	snop  }
0xb1: {  	[hbm4b:s4+s2] =	stream.indirect_vreg.scatter [tilespmem:s17], [sflag:$0x1], $0x80, v3, vm0, $0xb8;
	[tilespmem:$0x10080] =	vst v63  }
0xb2: {  	_ = 	snop  }
0xb3: {  	[hbm4b:s5+s2] =	stream.indirect_vreg.scatter [tilespmem:s8], [sflag:$0x1], $0x80, v3, vm0, $0xb8;
	[tilespmem:$0x10080] =	vst v63  }
0xb4: {  	s19 =	simm.s32 $0xB880  }
0xb5: {  	[hbm4b:s6+s2] =	stream.indirect_vreg.scatter [tilespmem:s19], [sflag:$0x1], $0x80, v3, vm0, $0xb8;
	[tilespmem:$0x10080] =	vst v63  }
0xb6: {  	v3 =	vld [tilespmem:$0x30];
	_ =	sdelay $0x4  }
0xb7: {  	v63 =	vshll.u32 v3, $0x3  }
0xb8: {  	v3 =	vand.u32 $0x7, v3;
	v4 =	vand.u32 $0xFFFFFFC0, v63  }
0xb9: {  	v3 =	vor.u32 v3, v4  }
0xba: {  	v4 =	vperm.xlane v3, v0;
	_ =	sdelay $0x1  }
0xbb: {  	v4 =	vadd.s32 v1, v4;
	_ =	sdelay $0x3  }
0xbc: {  	s8 =	simm.s32 $0xC080  }
0xbd: {  	[hbm4b:s3+s2] =	stream.indirect_vreg.scatter [tilespmem:s8], [sflag:$0x1], $0x80, v4, vm0, $0xb8;
	[tilespmem:$0x10080] =	vst v63  }
0xbe: {  	s19 =	simm.s32 $0xC880;
	v3 =	vperm.xlane v3, v2  }
0xbf: {  	[hbm4b:s4+s2] =	stream.indirect_vreg.scatter [tilespmem:s19], [sflag:$0x1], $0x80, v4, vm0, $0xb8;
	[tilespmem:$0x10080] =	vst v63  }
0xc0: {  	v3 =	vadd.s32 v1, v3;
	s8 =	simm.s32 $0xD080  }
0xc1: {  	[hbm4b:s5+s2] =	stream.indirect_vreg.scatter [tilespmem:s8], [sflag:$0x1], $0x80, v4, vm0, $0xb8;
	[tilespmem:$0x10080] =	vst v63  }
0xc2: {  	s19 =	simm.s32 $0xD880  }
0xc3: {  	[hbm4b:s6+s2] =	stream.indirect_vreg.scatter [tilespmem:s19], [sflag:$0x1], $0x80, v4, vm0, $0xb8;
	[tilespmem:$0x10080] =	vst v63  }
0xc4: {  	s8 =	simm.s32 $0xE080  }
0xc5: {  	[hbm4b:s3+s2] =	stream.indirect_vreg.scatter [tilespmem:s8], [sflag:$0x1], $0x80, v3, vm0, $0xb8;
	[tilespmem:$0x10080] =	vst v63  }
0xc6: {  	s19 =	simm.s32 $0xE880  }
0xc7: {  	[hbm4b:s4+s2] =	stream.indirect_vreg.scatter [tilespmem:s19], [sflag:$0x1], $0x80, v3, vm0, $0xb8;
	[tilespmem:$0x10080] =	vst v63  }
0xc8: {  	p0 =	sne.s32 s7, $0x1;
	s8 =	simm.s32 $0xF080  }
0xc9: {  	[hbm4b:s5+s2] =	stream.indirect_vreg.scatter [tilespmem:s8], [sflag:$0x1], $0x80, v3, vm0, $0xb8;
	[tilespmem:$0x10080] =	vst v63  }
.Ltmp0:
0xca: {  	s19 =	simm.s32 $0xF880;
	(pc) =	sbr.rel @p0 .LBB2_1-.Ltmp0, $4  }
0xcb: {  	[hbm4b:s6+s2] =	stream.indirect_vreg.scatter [tilespmem:s19], [sflag:$0x1], $0x80, v3, vm0, $0xb8;
	[tilespmem:$0x10080] =	vst v63  }
0xcc: {  	_ =	swait.ge [sflag:s18], $0x10000  }
0xcd: {  	[sflag:s18] =	ssyncset.done $0x0  }
0xce: {  	s7 =	sadd.s32 $0xFFFFFFFF, s7;
	[sflag:s18] =	ssyncadd.s32 $0xFFFF0000  }
0xcf: {  	_ =	sfence.sel $0x180000  }
0xd0: {  	[bflag:$0x0] =	sbarrier.arrive $0xFFFF  }
0xd1: {  	_ =	strace $0x90000047  }
0xd2: {  	s0 =	stileid.u32;
	[bflag:$0x2] =	sbarrier.arrive $0xFFFF  }
0xd3: {  	p0 =	sne.s32 s0, $0x0;
	s0 =	rddreg [dreg:$0x2]  }
0xd4: {  	s0 =	sadd.s32 @!p0 $0x100000, s0  }
0xd5: {  	[sflag:s0] =	ssyncadd.tile.s32 @!p0 $0x1;
	_ =	shalt  }
.Lfunc_end2:
_tile_overlayer_lowered:
.L_overlay_start_2:
0xd6: {  	(tag) =	ssettag $0x2  }
0xd7: {  	s0 =	rddreg [dreg:$0x0];
	s2 =	stileid.u32  }
0xd8: {  	s1 =	rddreg [dreg:$0x1];
	p0 =	sne.s32 s2, $0x0  }
0xd9: {  	s3 =	rddreg [dreg:$0x2];
	[bflag:$0x3] =	sbarrier.arrive $0xFFFF;
	s2 =	simm.s32 @!p0 $0x1C02  }
0xda: {  	[timem:s3], [sflag:s2] =	dma.local @!p0 [hbm:s0], s1  }
0xdb: {  	s0 =	simm.s32 @!p0 $0x2  }
0xdc: {  	_ =	swait.ge @!p0 [sflag:s0], s1  }
0xdd: {  	s1 =	ssub.s32 @!p0 $0x0, s1;
	[sflag:s0] =	ssyncset.done @!p0 $0x0  }
0xde: {  	[sflag:s0] =	ssyncadd.s32 @!p0 s1  }
0xdf: {  	[bflag:$0x3] =	sbarrier.arrive $0xFFFF  }
0xe0: {  	_ =	shalt  }

</sc_bundles>
